<compile_context>
chip_gen: v7x
topology: tpu7x:2x2x1
jax: 0.10.2.dev20260603
libtpu: 0.0.44.dev20260713+nightly
codegen_flags: <defaults>
</compile_context>

<pallas_src>
import functools

import jax
import jax.numpy as jnp
from jax import lax
from jax.experimental import pallas as pl
from jax.experimental.pallas import tpu as pltpu
from jax.experimental.pallas import tpu_sc as plsc

_B = 8
_N = 8192
_S = 512
_R0SQ = 0.2 ** 2
_R1SQ = 0.4 ** 2
_K0 = 16
_K1 = 32
_NC = 2
_NS = 16
_NW = _NC * _NS
_SPW = _S // (_NW // _B)



def _fps_body(pos_ref, np_ref, dist_ref):
    px = pos_ref[0]
    py = pos_ref[1]
    pz = pos_ref[2]
    iota = lax.broadcasted_iota(jnp.int32, (_B, _N), 1)
    dist_ref[...] = jnp.full((_B, _N), 1e10, jnp.float32)

    def body(i, far):
        mask = (iota == far).astype(jnp.float32)
        cx = jnp.sum(px * mask, axis=1, keepdims=True)
        cy = jnp.sum(py * mask, axis=1, keepdims=True)
        cz = jnp.sum(pz * mask, axis=1, keepdims=True)
        np_ref[pl.ds(i, 1)] = jnp.concatenate([cx, cy, cz], axis=1)[None]
        d = (px - cx) ** 2 + (py - cy) ** 2 + (pz - cz) ** 2
        dist = jnp.minimum(dist_ref[...], d)
        dist_ref[...] = dist
        m = jnp.max(dist, axis=1, keepdims=True)
        return jnp.min(jnp.where(dist == m, iota, _N), axis=1, keepdims=True)

    lax.fori_loop(0, _S, body, jnp.zeros((_B, 1), jnp.int32))


_fps_call = pl.pallas_call(
    _fps_body,
    out_shape=jax.ShapeDtypeStruct((_S, _B, 3), jnp.float32),
    scratch_shapes=[pltpu.VMEM((_B, _N), jnp.float32)],
)



def _round_bf16(x):
    bits = plsc.bitcast(x, jnp.uint32)
    lsb = lax.shift_right_logical(bits, jnp.uint32(16)) & jnp.uint32(1)
    r = (bits + jnp.uint32(0x7FFF) + lsb) & jnp.uint32(0xFFFF0000)
    return plsc.bitcast(r, jnp.float32)


def _sc_ballquery(gpf_hbm, npos_hbm, g0_hbm, g1_hbm,
                  pts_v, cen_v, idx0_v, idx1_v, out0_v, out1_v,
                  pxr_v, pyr_v, pzr_v, psq_v):
    cid = lax.axis_index("c")
    sid = lax.axis_index("s")
    wid = sid * _NC + cid
    b = wid // (_NW // _B)
    q = wid % (_NW // _B)
    pltpu.sync_copy(gpf_hbm.at[b], pts_v)
    pltpu.sync_copy(npos_hbm.at[b, q], cen_v)

    lanei = lax.iota(jnp.int32, 16)
    zi = jnp.zeros((16,), jnp.int32)

    def pre_body(n, carry):
        for u in range(4):
            base = n * 64 + u * 16
            px = pts_v[pl.ds(3 * _N + base, 16)]
            py = pts_v[pl.ds(4 * _N + base, 16)]
            pz = pts_v[pl.ds(5 * _N + base, 16)]
            pxr_v[pl.ds(base, 16)] = _round_bf16(px)
            pyr_v[pl.ds(base, 16)] = _round_bf16(py)
            pzr_v[pl.ds(base, 16)] = _round_bf16(pz)
            psq_v[pl.ds(base, 16)] = (px * px + py * py) + pz * pz
        return carry

    lax.fori_loop(0, _N // 64, pre_body, jnp.int32(0))

    def row_body(s_local, carry):
        sv = zi + s_local
        cxv = plsc.load_gather(cen_v, [sv])
        cyv = plsc.load_gather(cen_v, [sv + _SPW])
        czv = plsc.load_gather(cen_v, [sv + 2 * _SPW])
        cxb = _round_bf16(cxv)
        cyb = _round_bf16(cyv)
        czb = _round_bf16(czv)
        csq = (cxv * cxv + cyv * cyv) + czv * czv

        def cond(st):
            n, c0, c1 = st
            return (n < _N // 32) & ((c0 < _K0) | (c1 < _K1))

        def wbody(st):
            n, c0, c1 = st
            for u in range(2):
                base = n * 32 + u * 16
                pxr = pxr_v[pl.ds(base, 16)]
                pyr = pyr_v[pl.ds(base, 16)]
                pzr = pzr_v[pl.ds(base, 16)]
                psq = psq_v[pl.ds(base, 16)]
                m = (cxb * pxr + cyb * pyr) + czb * pzr
                d2 = (csq + psq) - 2.0 * m
                lanes = lanei + base
                m0 = (d2 <= _R0SQ) & ((zi + c0) < _K0)
                m1 = (d2 <= _R1SQ) & ((zi + c1) < _K1)
                p0 = (zi + c0) + lax.cumsum(m0.astype(jnp.int32)) - 1
                p1 = (zi + c1) + lax.cumsum(m1.astype(jnp.int32)) - 1
                plsc.store_scatter(idx0_v, [p0], lanes, mask=m0)
                plsc.store_scatter(idx1_v, [p1], lanes, mask=m1)
                c0 = c0 + jnp.sum(m0.astype(jnp.int32))
                c1 = c1 + jnp.sum(m1.astype(jnp.int32))
            return (n + 1, c0, c1)

        _, cnt0, cnt1 = lax.while_loop(
            cond, wbody, (jnp.int32(0), jnp.int32(0), jnp.int32(0)))

        vec0 = idx0_v[pl.ds(0, 16)]
        first0 = plsc.load_gather(idx0_v, [zi])
        fin0 = jnp.where(lanei < (zi + cnt0), vec0, first0)
        vec1a = idx1_v[pl.ds(0, 16)]
        vec1b = idx1_v[pl.ds(16, 16)]
        first1 = plsc.load_gather(idx1_v, [zi])
        fin1a = jnp.where(lanei < (zi + cnt1), vec1a, first1)
        fin1b = jnp.where((lanei + 16) < (zi + cnt1), vec1b, first1)

        cen = (cxv, cyv, czv)
        k0row = lanei * _SPW + sv
        k1arow = lanei * _SPW + sv
        k1brow = (lanei + 16) * _SPW + sv
        for c in range(6):
            off = zi + c * _N
            v0 = plsc.load_gather(pts_v, [fin0 + off])
            v1a = plsc.load_gather(pts_v, [fin1a + off])
            v1b = plsc.load_gather(pts_v, [fin1b + off])
            if c >= 3:
                v0 = v0 - cen[c - 3]
                v1a = v1a - cen[c - 3]
                v1b = v1b - cen[c - 3]
            plsc.store_scatter(out0_v, [k0row + c * (_K0 * _SPW)], v0)
            plsc.store_scatter(out1_v, [k1arow + c * (_K1 * _SPW)], v1a)
            plsc.store_scatter(out1_v, [k1brow + c * (_K1 * _SPW)], v1b)
        return carry

    lax.fori_loop(0, _SPW, row_body, jnp.int32(0))
    pltpu.sync_copy(out0_v, g0_hbm.at[b, q])
    pltpu.sync_copy(out1_v, g1_hbm.at[b, q])


_NQ = _NW // _B


@functools.cache
def _make_sc_call():
    return functools.partial(
        pl.kernel,
        out_type=[jax.ShapeDtypeStruct((_B, _NQ, 6 * _K0 * _SPW), jnp.float32),
                  jax.ShapeDtypeStruct((_B, _NQ, 6 * _K1 * _SPW), jnp.float32)],
        mesh=plsc.VectorSubcoreMesh(core_axis_name="c", subcore_axis_name="s"),
        compiler_params=pltpu.CompilerParams(needs_layout_passes=False),
        scratch_types=[
            pltpu.VMEM((6 * _N,), jnp.float32),
            pltpu.VMEM((3 * _SPW,), jnp.float32),
            pltpu.VMEM((_K0 + 16, ), jnp.int32),
            pltpu.VMEM((_K1 + 16, ), jnp.int32),
            pltpu.VMEM((6 * _K0 * _SPW,), jnp.float32),
            pltpu.VMEM((6 * _K1 * _SPW,), jnp.float32),
            pltpu.VMEM((_N,), jnp.float32),
            pltpu.VMEM((_N,), jnp.float32),
            pltpu.VMEM((_N,), jnp.float32),
            pltpu.VMEM((_N,), jnp.float32),
        ],
    )(_sc_ballquery)



def _mlp1_body(x_ref, w_ref, b_ref, y_ref, st_ref):
    x = x_ref[0]
    y = jnp.dot(w_ref[...], x, preferred_element_type=jnp.float32) + b_ref[...]
    y_ref[0] = y
    st = jnp.concatenate(
        [jnp.sum(y, axis=1, keepdims=True),
         jnp.sum(y * y, axis=1, keepdims=True)], axis=1)

    @pl.when(pl.program_id(0) == 0)
    def _():
        st_ref[...] = st

    @pl.when(pl.program_id(0) != 0)
    def _():
        st_ref[...] += st


def _mlp2_body(y_ref, st_ref, g_ref, be_ref, w_ref, b2_ref, y2_ref, st2_ref,
               *, count):
    y = y_ref[0]
    mean = st_ref[...][:, 0:1] / count
    var = st_ref[...][:, 1:2] / count - mean * mean
    scale = g_ref[...] * lax.rsqrt(var + 1e-5)
    x2 = jnp.maximum((y - mean) * scale + be_ref[...], 0.0)
    y2 = jnp.dot(w_ref[...], x2, preferred_element_type=jnp.float32) + b2_ref[...]
    y2_ref[0] = y2
    st = jnp.concatenate(
        [jnp.sum(y2, axis=1, keepdims=True),
         jnp.sum(y2 * y2, axis=1, keepdims=True)], axis=1)

    @pl.when(pl.program_id(0) == 0)
    def _():
        st2_ref[...] = st

    @pl.when(pl.program_id(0) != 0)
    def _():
        st2_ref[...] += st


def _mlp3_body(y_ref, st_ref, g_ref, be_ref, o_ref, *, count, k):
    y = y_ref[0]
    mean = st_ref[...][:, 0:1] / count
    var = st_ref[...][:, 1:2] / count - mean * mean
    scale = g_ref[...] * lax.rsqrt(var + 1e-5)
    z = jnp.maximum((y - mean) * scale + be_ref[...], 0.0)
    acc = z[:, 0:_S]
    for i in range(1, k):
        acc = jnp.maximum(acc, z[:, i * _S:(i + 1) * _S])
    o_ref[0] = acc


def _mlp_branch(x, k, p1, p2):
    (w1, b1, g1, be1) = p1
    (w2, b2, g2, be2) = p2
    c1, c2 = w1.shape[0], w2.shape[0]
    m = k * _S
    count = float(_B * m)
    grid = (_B,)
    y1, st1 = pl.pallas_call(
        _mlp1_body,
        grid=grid,
        in_specs=[pl.BlockSpec((1, 6, m), lambda i: (i, 0, 0)),
                  pl.BlockSpec((c1, 6), lambda i: (0, 0)),
                  pl.BlockSpec((c1, 1), lambda i: (0, 0))],
        out_specs=[pl.BlockSpec((1, c1, m), lambda i: (i, 0, 0)),
                   pl.BlockSpec((c1, 2), lambda i: (0, 0))],
        out_shape=[jax.ShapeDtypeStruct((_B, c1, m), jnp.float32),
                   jax.ShapeDtypeStruct((c1, 2), jnp.float32)],
    )(x, w1, b1)
    y2, st2 = pl.pallas_call(
        functools.partial(_mlp2_body, count=count),
        grid=grid,
        in_specs=[pl.BlockSpec((1, c1, m), lambda i: (i, 0, 0)),
                  pl.BlockSpec((c1, 2), lambda i: (0, 0)),
                  pl.BlockSpec((c1, 1), lambda i: (0, 0)),
                  pl.BlockSpec((c1, 1), lambda i: (0, 0)),
                  pl.BlockSpec((c2, c1), lambda i: (0, 0)),
                  pl.BlockSpec((c2, 1), lambda i: (0, 0))],
        out_specs=[pl.BlockSpec((1, c2, m), lambda i: (i, 0, 0)),
                   pl.BlockSpec((c2, 2), lambda i: (0, 0))],
        out_shape=[jax.ShapeDtypeStruct((_B, c2, m), jnp.float32),
                   jax.ShapeDtypeStruct((c2, 2), jnp.float32)],
    )(y1, st1, g1, be1, w2, b2)
    out = pl.pallas_call(
        functools.partial(_mlp3_body, count=count, k=k),
        grid=grid,
        in_specs=[pl.BlockSpec((1, c2, m), lambda i: (i, 0, 0)),
                  pl.BlockSpec((c2, 2), lambda i: (0, 0)),
                  pl.BlockSpec((c2, 1), lambda i: (0, 0)),
                  pl.BlockSpec((c2, 1), lambda i: (0, 0))],
        out_specs=pl.BlockSpec((1, c2, _S), lambda i: (i, 0, 0)),
        out_shape=jax.ShapeDtypeStruct((_B, c2, _S), jnp.float32),
    )(y2, st2, g2, be2)
    return out



def kernel(pos, feats, W0_0, b0_0, g0_0, be0_0, W0_1, b0_1, g0_1, be0_1,
           W1_0, b1_0, g1_0, be1_0, W1_1, b1_1, g1_1, be1_1):
    pos_t = jnp.transpose(pos, (1, 0, 2))
    np_t = _fps_call(pos_t)
    new_pos = jnp.transpose(np_t, (1, 2, 0))

    gpf = jnp.concatenate([feats, pos], axis=1)
    npq = new_pos.reshape(_B, 3, _NQ, _SPW).swapaxes(1, 2).reshape(_B, _NQ, 3 * _SPW)
    g0, g1 = _make_sc_call()(gpf.reshape(_B, 6 * _N), npq)

    def _regroup(g, k):
        g = g.reshape(_B, _NQ, 6, k, _SPW).transpose(0, 2, 3, 1, 4)
        return g.reshape(_B, 6, k * _S)

    x0 = _regroup(g0, _K0)
    x1 = _regroup(g1, _K1)
    r2 = lambda a: a.reshape(-1, 1)
    f0 = _mlp_branch(x0, _K0,
                     (W0_0, r2(b0_0), r2(g0_0), r2(be0_0)),
                     (W0_1, r2(b0_1), r2(g0_1), r2(be0_1)))
    f1 = _mlp_branch(x1, _K1,
                     (W1_0, r2(b1_0), r2(g1_0), r2(be1_0)),
                     (W1_1, r2(b1_1), r2(g1_1), r2(be1_1)))
    new_feats = jnp.concatenate([f0, f1], axis=1)
    return (new_pos, new_feats)

# --- scband reference (transcript-rebuilt; emitter-appended) ---
"""Pipeline reference for scband-pointset-abstraction-6055903887569 (READ-ONLY COPY).

The authoritative reference and input builder live on the scoring server;
editing this copy changes nothing except your own understanding.
"""

import jax, jax.numpy as jnp
import numpy as np

B = 8
N = 8192
NUM_POINTS = 512
DIM_POS = 3
DIM_FEATS = 3
RADIUS_LIST = [0.2, 0.4]
NUM_SAMPLES_LIST = [16, 32]
MLP_LIST = [[32, 64], [64, 128]]


def square_distance(src, dst):
    return jnp.sum(src ** 2, axis=-1)[:, :, None] + jnp.sum(dst ** 2, axis=-1)[:, None, :] - 2.0 * jnp.matmul(src, jnp.transpose(dst, (0, 2, 1)))


def farthest_point_sample(pos, S):
    xyz = jnp.transpose(pos, (0, 2, 1))
    B_, N_, _ = xyz.shape

    def body(i, state):
        centroids, distance, farthest = state
        centroids = centroids.at[:, i].set(farthest)
        centroid = jnp.take_along_axis(xyz, farthest[:, None, None], axis=1)
        dist = jnp.sum((xyz - centroid) ** 2, axis=-1)
        distance = jnp.minimum(distance, dist)
        farthest = jnp.argmax(distance, axis=-1).astype(jnp.int32)
        return (centroids, distance, farthest)

    init = (jnp.zeros((B_, S), dtype=jnp.int32), jnp.full((B_, N_), 1e10, dtype=jnp.float32), jnp.zeros((B_,), dtype=jnp.int32))
    centroids, _, _ = jax.lax.fori_loop(0, S, body, init)
    return centroids


def select_point_subset(points, idx):
    pts = jnp.transpose(points, (0, 2, 1))
    B_ = pts.shape[0]
    if idx.ndim == 2:
        out = pts[jnp.arange(B_)[:, None], idx]
        return jnp.transpose(out, (0, 2, 1))
    out = pts[jnp.arange(B_)[:, None, None], idx]
    return jnp.transpose(out, (0, 3, 1, 2))


def ball_query(radius, K, pos, new_pos):
    xyz = jnp.transpose(pos, (0, 2, 1))
    new_xyz = jnp.transpose(new_pos, (0, 2, 1))
    B_, S_, _ = new_xyz.shape
    N_ = xyz.shape[1]
    sqrdists = square_distance(new_xyz, xyz)
    group_idx = jnp.broadcast_to(jnp.arange(N_, dtype=jnp.int32)[None, None, :], (B_, S_, N_))
    group_idx = jnp.where(sqrdists > radius ** 2, N_, group_idx)
    group_idx = jnp.sort(group_idx, axis=-1)[:, :, :K]
    group_first = jnp.broadcast_to(group_idx[:, :, :1], group_idx.shape)
    group_idx = jnp.where(group_idx == N_, group_first, group_idx)
    return group_idx


def conv_bn_relu(x, W, b, gamma, beta):
    y = jnp.einsum('bcsk,oc->bosk', x, W) + b[None, :, None, None]
    mean = jnp.mean(y, axis=(0, 2, 3), keepdims=True)
    var = jnp.var(y, axis=(0, 2, 3), keepdims=True)
    y = (y - mean) / jnp.sqrt(var + 1e-5)
    y = y * gamma[None, :, None, None] + beta[None, :, None, None]
    return jax.nn.relu(y)


def setup_inputs(seed: int = 0):
    key = jax.random.key(seed)
    ks = jax.random.split(key, 40)
    inp = {}
    inp['pos'] = jax.random.uniform(ks[0], (B, DIM_POS, N), dtype=jnp.float32)
    inp['feats'] = jax.random.normal(ks[1], (B, DIM_FEATS, N), dtype=jnp.float32)
    ki = 2
    for bi, mlp in enumerate(MLP_LIST):
        cin = DIM_POS + DIM_FEATS
        for li, cout in enumerate(mlp):
            inp['W%d_%d' % (bi, li)] = jax.random.normal(ks[ki], (cout, cin), dtype=jnp.float32) * (1.0 / np.sqrt(cin))
            ki += 1
            inp['b%d_%d' % (bi, li)] = jnp.zeros((cout,), dtype=jnp.float32)
            inp['g%d_%d' % (bi, li)] = jnp.ones((cout,), dtype=jnp.float32)
            inp['be%d_%d' % (bi, li)] = jnp.zeros((cout,), dtype=jnp.float32)
            cin = cout
    return inp


def reference(pos, feats, W0_0, b0_0, g0_0, be0_0, W0_1, b0_1, g0_1, be0_1, W1_0, b1_0, g1_0, be1_0, W1_1, b1_1, g1_1, be1_1):
    params = [[(W0_0, b0_0, g0_0, be0_0), (W0_1, b0_1, g0_1, be0_1)], [(W1_0, b1_0, g1_0, be1_0), (W1_1, b1_1, g1_1, be1_1)]]
    S = NUM_POINTS
    idx = farthest_point_sample(jax.lax.stop_gradient(pos), S)
    new_pos = select_point_subset(pos, idx)
    new_feats_list = []
    for i, r in enumerate(RADIUS_LIST):
        K = NUM_SAMPLES_LIST[i]
        group_idx = ball_query(r, K, jax.lax.stop_gradient(pos), jax.lax.stop_gradient(new_pos))
        grouped_pos = select_point_subset(pos, group_idx)
        grouped_pos = grouped_pos - new_pos[:, :, :, None]
        grouped_feats = select_point_subset(feats, group_idx)
        grouped_feats = jnp.concatenate([grouped_feats, grouped_pos], axis=1)
        for (W, b, g, be) in params[i]:
            grouped_feats = conv_bn_relu(grouped_feats, W, b, g, be)
        new_feats = jnp.max(grouped_feats, axis=3)
        new_feats_list.append(new_feats)
    new_feats = jnp.concatenate(new_feats_list, axis=1)
    return (new_pos, new_feats)

if __name__ == "__main__":
    import jax
    _d = setup_inputs()
    print(jax.jit(kernel)(*tuple(_d.values())))

</pallas_src>

<mosaic_0001>
#map = affine_map<(d0, d1) -> (0, 0)>
#map1 = affine_map<(d0, d1) -> (0, 0, 0)>
module attributes {stable_mosaic.version = 14 : i64} {
  func.func @_sc_ballquery(%arg0: i32, %arg1: i32, %arg2: memref<8x49152xf32, #tpu.memory_space<hbm>>, %arg3: memref<8x4x384xf32, #tpu.memory_space<hbm>>, %arg4: memref<8x4x12288xf32, #tpu.memory_space<hbm>>, %arg5: memref<8x4x24576xf32, #tpu.memory_space<hbm>>, %arg6: memref<49152xf32, #tpu.memory_space<vmem>>, %arg7: memref<384xf32, #tpu.memory_space<vmem>>, %arg8: memref<32xi32, #tpu.memory_space<vmem>>, %arg9: memref<48xi32, #tpu.memory_space<vmem>>, %arg10: memref<12288xf32, #tpu.memory_space<vmem>>, %arg11: memref<24576xf32, #tpu.memory_space<vmem>>, %arg12: memref<8192xf32, #tpu.memory_space<vmem>>, %arg13: memref<8192xf32, #tpu.memory_space<vmem>>, %arg14: memref<8192xf32, #tpu.memory_space<vmem>>, %arg15: memref<8192xf32, #tpu.memory_space<vmem>>) attributes {dimension_semantics = [#tpu.dimension_semantics<core_parallel>, #tpu.dimension_semantics<subcore_parallel>], iteration_bounds = array<i64: 2, 16>, scalar_prefetch = 0 : i64, scratch_operands = 10 : i64, tpu.core_type = #tpu.core_type<sc_vector_subcore>, window_params = [{transform_indices = #map}, {transform_indices = #map1}, {transform_indices = #map1}, {transform_indices = #map1}]} {
    %mul3A = arith.constant 2 : i32
    %mul3A_0 = arith.muli %arg1, %mul3A : i32
    %add3A = arith.addi %mul3A_0, %arg0 : i32
    %jit3A = arith.constant 4 : i32
    %div3A = arith.divsi %add3A, %jit3A : i32
    %sign3A = arith.constant 0 : i32
    %sign3A_1 = arith.cmpi sgt, %add3A, %sign3A : i32
    %sign3A_2 = arith.extui %sign3A_1 : i1 to i32
    %sign3A_3 = arith.constant 0 : i32
    %sign3A_4 = arith.cmpi slt, %add3A, %sign3A_3 : i32
    %sign3A_5 = arith.extui %sign3A_4 : i1 to i32
    %sign3A_6 = arith.subi %sign3A_2, %sign3A_5 : i32
    %sign3A_7 = arith.constant 0 : i32
    %sign3A_8 = arith.cmpi sgt, %jit3A, %sign3A_7 : i32
    %sign3A_9 = arith.extui %sign3A_8 : i1 to i32
    %sign3A_10 = arith.constant 0 : i32
    %sign3A_11 = arith.cmpi slt, %jit3A, %sign3A_10 : i32
    %sign3A_12 = arith.extui %sign3A_11 : i1 to i32
    %sign3A_13 = arith.subi %sign3A_9, %sign3A_12 : i32
    %ne3A = arith.cmpi ne, %sign3A_6, %sign3A_13 : i32
    %rem3A = arith.remsi %add3A, %jit3A : i32
    %ne3A_14 = arith.constant 0 : i32
    %ne3A_15 = arith.cmpi ne, %rem3A, %ne3A_14 : i32
    %and3A = arith.andi %ne3A, %ne3A_15 : i1
    %sub3A = arith.constant 1 : i32
    %sub3A_16 = arith.subi %div3A, %sub3A : i32
    %select_n3A = arith.select %and3A, %sub3A_16, %div3A : i32
    %jit3A_17 = arith.constant 4 : i32
    %eq3A = arith.constant 0 : i32
    %eq3A_18 = arith.cmpi eq, %jit3A_17, %eq3A : i32
    %jit3A_19 = arith.constant 1 : i32
    %select_n3A_20 = arith.select %eq3A_18, %jit3A_19, %jit3A_17 : i32
    %rem3A_21 = arith.remsi %add3A, %select_n3A_20 : i32
    %ne3A_22 = arith.constant 0 : i32
    %ne3A_23 = arith.cmpi ne, %rem3A_21, %ne3A_22 : i32
    %lt3A = arith.constant 0 : i32
    %lt3A_24 = arith.cmpi slt, %rem3A_21, %lt3A : i32
    %lt3A_25 = arith.constant 0 : i32
    %lt3A_26 = arith.cmpi slt, %select_n3A_20, %lt3A_25 : i32
    %ne3A_27 = arith.xori %lt3A_24, %lt3A_26 : i1
    %and3A_28 = arith.andi %ne3A_27, %ne3A_23 : i1
    %add3A_29 = arith.addi %rem3A_21, %select_n3A_20 : i32
    %select_n3A_30 = arith.select %and3A_28, %add3A_29, %rem3A_21 : i32
    "tpu.region"() ({
      %run_scoped3A = tpu.sem_alloc : memref<!tpu.dma_semaphore, #tpu.memory_space<semaphore_mem>>
      %dma_start3A = arith.constant 0 : i32
      %dma_start3A_43 = tpu.memref_slice %arg2[%select_n3A, %dma_start3A] : memref<8x49152xf32, #tpu.memory_space<hbm>> -> memref<1x49152xf32, #tpu.memory_space<hbm>>
      %dma_start3A_44 = tpu.memref_squeeze %dma_start3A_43 : memref<1x49152xf32, #tpu.memory_space<hbm>> -> memref<49152xf32, #tpu.memory_space<hbm>>
      %dma_start3A_45 = arith.constant 0 : i32
      %dma_start3A_46 = tpu.memref_slice %arg2[%select_n3A, %dma_start3A_45] : memref<8x49152xf32, #tpu.memory_space<hbm>> -> memref<1x49152xf32, #tpu.memory_space<hbm>>
      %dma_start3A_47 = tpu.memref_squeeze %dma_start3A_46 : memref<1x49152xf32, #tpu.memory_space<hbm>> -> memref<49152xf32, #tpu.memory_space<hbm>>
      tpu.enqueue_dma source(%dma_start3A_47 : memref<49152xf32, #tpu.memory_space<hbm>>) target(%arg6 : memref<49152xf32, #tpu.memory_space<vmem>>) target_semaphore(%run_scoped3A : memref<!tpu.dma_semaphore, #tpu.memory_space<semaphore_mem>>)
      %dma_wait3A = arith.constant 0 : i32
      %dma_wait3A_48 = tpu.memref_slice %arg2[%select_n3A, %dma_wait3A] : memref<8x49152xf32, #tpu.memory_space<hbm>> -> memref<1x49152xf32, #tpu.memory_space<hbm>>
      %dma_wait3A_49 = tpu.memref_squeeze %dma_wait3A_48 : memref<1x49152xf32, #tpu.memory_space<hbm>> -> memref<49152xf32, #tpu.memory_space<hbm>>
      %dma_wait3A_50 = arith.constant 0 : i32
      %dma_wait3A_51 = tpu.memref_slice %arg2[%select_n3A, %dma_wait3A_50] : memref<8x49152xf32, #tpu.memory_space<hbm>> -> memref<1x49152xf32, #tpu.memory_space<hbm>>
      %dma_wait3A_52 = tpu.memref_squeeze %dma_wait3A_51 : memref<1x49152xf32, #tpu.memory_space<hbm>> -> memref<49152xf32, #tpu.memory_space<hbm>>
      tpu.wait_dma2 semaphore(%run_scoped3A : memref<!tpu.dma_semaphore, #tpu.memory_space<semaphore_mem>>) src(%dma_wait3A_52 : memref<49152xf32, #tpu.memory_space<hbm>>) dst(%arg6 : memref<49152xf32, #tpu.memory_space<vmem>>)
      tpu.yield
    }) : () -> ()
    "tpu.region"() ({
      %run_scoped3A = tpu.sem_alloc : memref<!tpu.dma_semaphore, #tpu.memory_space<semaphore_mem>>
      %dma_start3A = arith.constant 0 : i32
      %dma_start3A_43 = tpu.memref_slice %arg3[%select_n3A, %select_n3A_30, %dma_start3A] : memref<8x4x384xf32, #tpu.memory_space<hbm>> -> memref<1x1x384xf32, #tpu.memory_space<hbm>>
      %dma_start3A_44 = tpu.memref_squeeze %dma_start3A_43 : memref<1x1x384xf32, #tpu.memory_space<hbm>> -> memref<384xf32, #tpu.memory_space<hbm>>
      %dma_start3A_45 = arith.constant 0 : i32
      %dma_start3A_46 = tpu.memref_slice %arg3[%select_n3A, %select_n3A_30, %dma_start3A_45] : memref<8x4x384xf32, #tpu.memory_space<hbm>> -> memref<1x1x384xf32, #tpu.memory_space<hbm>>
      %dma_start3A_47 = tpu.memref_squeeze %dma_start3A_46 : memref<1x1x384xf32, #tpu.memory_space<hbm>> -> memref<384xf32, #tpu.memory_space<hbm>>
      tpu.enqueue_dma source(%dma_start3A_47 : memref<384xf32, #tpu.memory_space<hbm>>) target(%arg7 : memref<384xf32, #tpu.memory_space<vmem>>) target_semaphore(%run_scoped3A : memref<!tpu.dma_semaphore, #tpu.memory_space<semaphore_mem>>)
      %dma_wait3A = arith.constant 0 : i32
      %dma_wait3A_48 = tpu.memref_slice %arg3[%select_n3A, %select_n3A_30, %dma_wait3A] : memref<8x4x384xf32, #tpu.memory_space<hbm>> -> memref<1x1x384xf32, #tpu.memory_space<hbm>>
      %dma_wait3A_49 = tpu.memref_squeeze %dma_wait3A_48 : memref<1x1x384xf32, #tpu.memory_space<hbm>> -> memref<384xf32, #tpu.memory_space<hbm>>
      %dma_wait3A_50 = arith.constant 0 : i32
      %dma_wait3A_51 = tpu.memref_slice %arg3[%select_n3A, %select_n3A_30, %dma_wait3A_50] : memref<8x4x384xf32, #tpu.memory_space<hbm>> -> memref<1x1x384xf32, #tpu.memory_space<hbm>>
      %dma_wait3A_52 = tpu.memref_squeeze %dma_wait3A_51 : memref<1x1x384xf32, #tpu.memory_space<hbm>> -> memref<384xf32, #tpu.memory_space<hbm>>
      tpu.wait_dma2 semaphore(%run_scoped3A : memref<!tpu.dma_semaphore, #tpu.memory_space<semaphore_mem>>) src(%dma_wait3A_52 : memref<384xf32, #tpu.memory_space<hbm>>) dst(%arg7 : memref<384xf32, #tpu.memory_space<vmem>>)
      tpu.yield
    }) : () -> ()
    %iota3A = tpu.iota {dimensions = array<i32: 0>} : vector<16xi32>
    %broadcast_in_dim3A = arith.constant 0 : i32
    %broadcast_in_dim3A_31 = vector.broadcast %broadcast_in_dim3A : i32 to vector<16xi32>
    %scan3A = arith.constant 0 : i32
    %scan3A_32 = arith.constant 0 : i32
    %scan3A_33 = arith.constant 128 : i32
    %scan3A_34 = arith.addi %scan3A_32, %scan3A_33 : i32
    %scan3A_35 = arith.constant 1 : i32
    scf.for %scan3A_43 = %scan3A_32 to %scan3A_34 step %scan3A_35  : i32 {
      %mul3A_44 = arith.constant 64 : i32
      %mul3A_45 = arith.muli %scan3A_43, %mul3A_44 : i32
      %add3A_46 = arith.constant 0 : i32
      %add3A_47 = arith.addi %mul3A_45, %add3A_46 : i32
      %add3A_48 = arith.constant 24576 : i32
      %add3A_49 = arith.addi %add3A_48, %add3A_47 : i32
      %get3A = arith.index_cast %add3A_49 : i32 to index
      %get3A_50 = tpu.vector_load %arg6[%get3A] {strides = array<i32>} : memref<49152xf32, #tpu.memory_space<vmem>>, vector<16xf32>,
      %add3A_51 = arith.constant 32768 : i32
      %add3A_52 = arith.addi %add3A_51, %add3A_47 : i32
      %get3A_53 = arith.index_cast %add3A_52 : i32 to index
      %get3A_54 = tpu.vector_load %arg6[%get3A_53] {strides = array<i32>} : memref<49152xf32, #tpu.memory_space<vmem>>, vector<16xf32>,
      %add3A_55 = arith.constant 40960 : i32
      %add3A_56 = arith.addi %add3A_55, %add3A_47 : i32
      %get3A_57 = arith.index_cast %add3A_56 : i32 to index
      %get3A_58 = tpu.vector_load %arg6[%get3A_57] {strides = array<i32>} : memref<49152xf32, #tpu.memory_space<vmem>>, vector<16xf32>,
      %bitcast3A = vector.bitcast %get3A_50 : vector<16xf32> to vector<16xi32>
      %shift_right_logical3A = arith.constant 16 : i32
      %shift_right_logical3A_59 = vector.broadcast %shift_right_logical3A : i32 to vector<16xi32>
      %shift_right_logical3A_60 = arith.shrui %bitcast3A, %shift_right_logical3A_59 : vector<16xi32>
      %and3A_61 = arith.constant 1 : i32
      %and3A_62 = vector.broadcast %and3A_61 : i32 to vector<16xi32>
      %and3A_63 = arith.andi %shift_right_logical3A_60, %and3A_62 : vector<16xi32>
      %add3A_64 = arith.constant 32767 : i32
      %add3A_65 = vector.broadcast %add3A_64 : i32 to vector<16xi32>
      %add3A_66 = arith.addi %bitcast3A, %add3A_65 : vector<16xi32>
      %add3A_67 = arith.addi %add3A_66, %and3A_63 : vector<16xi32>
      %and3A_68 = arith.constant -65536 : i32
      %and3A_69 = vector.broadcast %and3A_68 : i32 to vector<16xi32>
      %and3A_70 = arith.andi %add3A_67, %and3A_69 : vector<16xi32>
      %bitcast3A_71 = vector.bitcast %and3A_70 : vector<16xi32> to vector<16xf32>
      %swap3A = arith.index_cast %add3A_47 : i32 to index
      %swap3A_72 = tpu.vector_load %arg12[%swap3A] {strides = array<i32>} : memref<8192xf32, #tpu.memory_space<vmem>>, vector<16xf32>,
      tpu.vector_store %arg12[%swap3A], %bitcast3A_71 {strides = array<i32>} : memref<8192xf32, #tpu.memory_space<vmem>>, vector<16xf32>,
      %bitcast3A_73 = vector.bitcast %get3A_54 : vector<16xf32> to vector<16xi32>
      %shift_right_logical3A_74 = arith.constant 16 : i32
      %shift_right_logical3A_75 = vector.broadcast %shift_right_logical3A_74 : i32 to vector<16xi32>
      %shift_right_logical3A_76 = arith.shrui %bitcast3A_73, %shift_right_logical3A_75 : vector<16xi32>
      %and3A_77 = arith.constant 1 : i32
      %and3A_78 = vector.broadcast %and3A_77 : i32 to vector<16xi32>
      %and3A_79 = arith.andi %shift_right_logical3A_76, %and3A_78 : vector<16xi32>
      %add3A_80 = arith.constant 32767 : i32
      %add3A_81 = vector.broadcast %add3A_80 : i32 to vector<16xi32>
      %add3A_82 = arith.addi %bitcast3A_73, %add3A_81 : vector<16xi32>
      %add3A_83 = arith.addi %add3A_82, %and3A_79 : vector<16xi32>
      %and3A_84 = arith.constant -65536 : i32
      %and3A_85 = vector.broadcast %and3A_84 : i32 to vector<16xi32>
      %and3A_86 = arith.andi %add3A_83, %and3A_85 : vector<16xi32>
      %bitcast3A_87 = vector.bitcast %and3A_86 : vector<16xi32> to vector<16xf32>
      %swap3A_88 = arith.index_cast %add3A_47 : i32 to index
      %swap3A_89 = tpu.vector_load %arg13[%swap3A_88] {strides = array<i32>} : memref<8192xf32, #tpu.memory_space<vmem>>, vector<16xf32>,
      tpu.vector_store %arg13[%swap3A_88], %bitcast3A_87 {strides = array<i32>} : memref<8192xf32, #tpu.memory_space<vmem>>, vector<16xf32>,
      %bitcast3A_90 = vector.bitcast %get3A_58 : vector<16xf32> to vector<16xi32>
      %shift_right_logical3A_91 = arith.constant 16 : i32
      %shift_right_logical3A_92 = vector.broadcast %shift_right_logical3A_91 : i32 to vector<16xi32>
      %shift_right_logical3A_93 = arith.shrui %bitcast3A_90, %shift_right_logical3A_92 : vector<16xi32>
      %and3A_94 = arith.constant 1 : i32
      %and3A_95 = vector.broadcast %and3A_94 : i32 to vector<16xi32>
      %and3A_96 = arith.andi %shift_right_logical3A_93, %and3A_95 : vector<16xi32>
      %add3A_97 = arith.constant 32767 : i32
      %add3A_98 = vector.broadcast %add3A_97 : i32 to vector<16xi32>
      %add3A_99 = arith.addi %bitcast3A_90, %add3A_98 : vector<16xi32>
      %add3A_100 = arith.addi %add3A_99, %and3A_96 : vector<16xi32>
      %and3A_101 = arith.constant -65536 : i32
      %and3A_102 = vector.broadcast %and3A_101 : i32 to vector<16xi32>
      %and3A_103 = arith.andi %add3A_100, %and3A_102 : vector<16xi32>
      %bitcast3A_104 = vector.bitcast %and3A_103 : vector<16xi32> to vector<16xf32>
      %swap3A_105 = arith.index_cast %add3A_47 : i32 to index
      %swap3A_106 = tpu.vector_load %arg14[%swap3A_105] {strides = array<i32>} : memref<8192xf32, #tpu.memory_space<vmem>>, vector<16xf32>,
      tpu.vector_store %arg14[%swap3A_105], %bitcast3A_104 {strides = array<i32>} : memref<8192xf32, #tpu.memory_space<vmem>>, vector<16xf32>,
      %mul3A_107 = arith.mulf %get3A_50, %get3A_50 : vector<16xf32>
      %mul3A_108 = arith.mulf %get3A_54, %get3A_54 : vector<16xf32>
      %add3A_109 = arith.addf %mul3A_107, %mul3A_108 : vector<16xf32>
      %mul3A_110 = arith.mulf %get3A_58, %get3A_58 : vector<16xf32>
      %add3A_111 = arith.addf %add3A_109, %mul3A_110 : vector<16xf32>
      %swap3A_112 = arith.index_cast %add3A_47 : i32 to index
      %swap3A_113 = tpu.vector_load %arg15[%swap3A_112] {strides = array<i32>} : memref<8192xf32, #tpu.memory_space<vmem>>, vector<16xf32>,
      tpu.vector_store %arg15[%swap3A_112], %add3A_111 {strides = array<i32>} : memref<8192xf32, #tpu.memory_space<vmem>>, vector<16xf32>,
      %mul3A_114 = arith.constant 64 : i32
      %mul3A_115 = arith.muli %scan3A_43, %mul3A_114 : i32
      %add3A_116 = arith.constant 16 : i32
      %add3A_117 = arith.addi %mul3A_115, %add3A_116 : i32
      %add3A_118 = arith.constant 24576 : i32
      %add3A_119 = arith.addi %add3A_118, %add3A_117 : i32
      %get3A_120 = arith.index_cast %add3A_119 : i32 to index
      %get3A_121 = tpu.vector_load %arg6[%get3A_120] {strides = array<i32>} : memref<49152xf32, #tpu.memory_space<vmem>>, vector<16xf32>,
      %add3A_122 = arith.constant 32768 : i32
      %add3A_123 = arith.addi %add3A_122, %add3A_117 : i32
      %get3A_124 = arith.index_cast %add3A_123 : i32 to index
      %get3A_125 = tpu.vector_load %arg6[%get3A_124] {strides = array<i32>} : memref<49152xf32, #tpu.memory_space<vmem>>, vector<16xf32>,
      %add3A_126 = arith.constant 40960 : i32
      %add3A_127 = arith.addi %add3A_126, %add3A_117 : i32
      %get3A_128 = arith.index_cast %add3A_127 : i32 to index
      %get3A_129 = tpu.vector_load %arg6[%get3A_128] {strides = array<i32>} : memref<49152xf32, #tpu.memory_space<vmem>>, vector<16xf32>,
      %bitcast3A_130 = vector.bitcast %get3A_121 : vector<16xf32> to vector<16xi32>
      %shift_right_logical3A_131 = arith.constant 16 : i32
      %shift_right_logical3A_132 = vector.broadcast %shift_right_logical3A_131 : i32 to vector<16xi32>
      %shift_right_logical3A_133 = arith.shrui %bitcast3A_130, %shift_right_logical3A_132 : vector<16xi32>
      %and3A_134 = arith.constant 1 : i32
      %and3A_135 = vector.broadcast %and3A_134 : i32 to vector<16xi32>
      %and3A_136 = arith.andi %shift_right_logical3A_133, %and3A_135 : vector<16xi32>
      %add3A_137 = arith.constant 32767 : i32
      %add3A_138 = vector.broadcast %add3A_137 : i32 to vector<16xi32>
      %add3A_139 = arith.addi %bitcast3A_130, %add3A_138 : vector<16xi32>
      %add3A_140 = arith.addi %add3A_139, %and3A_136 : vector<16xi32>
      %and3A_141 = arith.constant -65536 : i32
      %and3A_142 = vector.broadcast %and3A_141 : i32 to vector<16xi32>
      %and3A_143 = arith.andi %add3A_140, %and3A_142 : vector<16xi32>
      %bitcast3A_144 = vector.bitcast %and3A_143 : vector<16xi32> to vector<16xf32>
      %swap3A_145 = arith.index_cast %add3A_117 : i32 to index
      %swap3A_146 = tpu.vector_load %arg12[%swap3A_145] {strides = array<i32>} : memref<8192xf32, #tpu.memory_space<vmem>>, vector<16xf32>,
      tpu.vector_store %arg12[%swap3A_145], %bitcast3A_144 {strides = array<i32>} : memref<8192xf32, #tpu.memory_space<vmem>>, vector<16xf32>,
      %bitcast3A_147 = vector.bitcast %get3A_125 : vector<16xf32> to vector<16xi32>
      %shift_right_logical3A_148 = arith.constant 16 : i32
      %shift_right_logical3A_149 = vector.broadcast %shift_right_logical3A_148 : i32 to vector<16xi32>
      %shift_right_logical3A_150 = arith.shrui %bitcast3A_147, %shift_right_logical3A_149 : vector<16xi32>
      %and3A_151 = arith.constant 1 : i32
      %and3A_152 = vector.broadcast %and3A_151 : i32 to vector<16xi32>
      %and3A_153 = arith.andi %shift_right_logical3A_150, %and3A_152 : vector<16xi32>
      %add3A_154 = arith.constant 32767 : i32
      %add3A_155 = vector.broadcast %add3A_154 : i32 to vector<16xi32>
      %add3A_156 = arith.addi %bitcast3A_147, %add3A_155 : vector<16xi32>
      %add3A_157 = arith.addi %add3A_156, %and3A_153 : vector<16xi32>
      %and3A_158 = arith.constant -65536 : i32
      %and3A_159 = vector.broadcast %and3A_158 : i32 to vector<16xi32>
      %and3A_160 = arith.andi %add3A_157, %and3A_159 : vector<16xi32>
      %bitcast3A_161 = vector.bitcast %and3A_160 : vector<16xi32> to vector<16xf32>
      %swap3A_162 = arith.index_cast %add3A_117 : i32 to index
      %swap3A_163 = tpu.vector_load %arg13[%swap3A_162] {strides = array<i32>} : memref<8192xf32, #tpu.memory_space<vmem>>, vector<16xf32>,
      tpu.vector_store %arg13[%swap3A_162], %bitcast3A_161 {strides = array<i32>} : memref<8192xf32, #tpu.memory_space<vmem>>, vector<16xf32>,
      %bitcast3A_164 = vector.bitcast %get3A_129 : vector<16xf32> to vector<16xi32>
      %shift_right_logical3A_165 = arith.constant 16 : i32
      %shift_right_logical3A_166 = vector.broadcast %shift_right_logical3A_165 : i32 to vector<16xi32>
      %shift_right_logical3A_167 = arith.shrui %bitcast3A_164, %shift_right_logical3A_166 : vector<16xi32>
      %and3A_168 = arith.constant 1 : i32
      %and3A_169 = vector.broadcast %and3A_168 : i32 to vector<16xi32>
      %and3A_170 = arith.andi %shift_right_logical3A_167, %and3A_169 : vector<16xi32>
      %add3A_171 = arith.constant 32767 : i32
      %add3A_172 = vector.broadcast %add3A_171 : i32 to vector<16xi32>
      %add3A_173 = arith.addi %bitcast3A_164, %add3A_172 : vector<16xi32>
      %add3A_174 = arith.addi %add3A_173, %and3A_170 : vector<16xi32>
      %and3A_175 = arith.constant -65536 : i32
      %and3A_176 = vector.broadcast %and3A_175 : i32 to vector<16xi32>
      %and3A_177 = arith.andi %add3A_174, %and3A_176 : vector<16xi32>
      %bitcast3A_178 = vector.bitcast %and3A_177 : vector<16xi32> to vector<16xf32>
      %swap3A_179 = arith.index_cast %add3A_117 : i32 to index
      %swap3A_180 = tpu.vector_load %arg14[%swap3A_179] {strides = array<i32>} : memref<8192xf32, #tpu.memory_space<vmem>>, vector<16xf32>,
      tpu.vector_store %arg14[%swap3A_179], %bitcast3A_178 {strides = array<i32>} : memref<8192xf32, #tpu.memory_space<vmem>>, vector<16xf32>,
      %mul3A_181 = arith.mulf %get3A_121, %get3A_121 : vector<16xf32>
      %mul3A_182 = arith.mulf %get3A_125, %get3A_125 : vector<16xf32>
      %add3A_183 = arith.addf %mul3A_181, %mul3A_182 : vector<16xf32>
      %mul3A_184 = arith.mulf %get3A_129, %get3A_129 : vector<16xf32>
      %add3A_185 = arith.addf %add3A_183, %mul3A_184 : vector<16xf32>
      %swap3A_186 = arith.index_cast %add3A_117 : i32 to index
      %swap3A_187 = tpu.vector_load %arg15[%swap3A_186] {strides = array<i32>} : memref<8192xf32, #tpu.memory_space<vmem>>, vector<16xf32>,
      tpu.vector_store %arg15[%swap3A_186], %add3A_185 {strides = array<i32>} : memref<8192xf32, #tpu.memory_space<vmem>>, vector<16xf32>,
      %mul3A_188 = arith.constant 64 : i32
      %mul3A_189 = arith.muli %scan3A_43, %mul3A_188 : i32
      %add3A_190 = arith.constant 32 : i32
      %add3A_191 = arith.addi %mul3A_189, %add3A_190 : i32
      %add3A_192 = arith.constant 24576 : i32
      %add3A_193 = arith.addi %add3A_192, %add3A_191 : i32
      %get3A_194 = arith.index_cast %add3A_193 : i32 to index
      %get3A_195 = tpu.vector_load %arg6[%get3A_194] {strides = array<i32>} : memref<49152xf32, #tpu.memory_space<vmem>>, vector<16xf32>,
      %add3A_196 = arith.constant 32768 : i32
      %add3A_197 = arith.addi %add3A_196, %add3A_191 : i32
      %get3A_198 = arith.index_cast %add3A_197 : i32 to index
      %get3A_199 = tpu.vector_load %arg6[%get3A_198] {strides = array<i32>} : memref<49152xf32, #tpu.memory_space<vmem>>, vector<16xf32>,
      %add3A_200 = arith.constant 40960 : i32
      %add3A_201 = arith.addi %add3A_200, %add3A_191 : i32
      %get3A_202 = arith.index_cast %add3A_201 : i32 to index
      %get3A_203 = tpu.vector_load %arg6[%get3A_202] {strides = array<i32>} : memref<49152xf32, #tpu.memory_space<vmem>>, vector<16xf32>,
      %bitcast3A_204 = vector.bitcast %get3A_195 : vector<16xf32> to vector<16xi32>
      %shift_right_logical3A_205 = arith.constant 16 : i32
      %shift_right_logical3A_206 = vector.broadcast %shift_right_logical3A_205 : i32 to vector<16xi32>
      %shift_right_logical3A_207 = arith.shrui %bitcast3A_204, %shift_right_logical3A_206 : vector<16xi32>
      %and3A_208 = arith.constant 1 : i32
      %and3A_209 = vector.broadcast %and3A_208 : i32 to vector<16xi32>
      %and3A_210 = arith.andi %shift_right_logical3A_207, %and3A_209 : vector<16xi32>
      %add3A_211 = arith.constant 32767 : i32
      %add3A_212 = vector.broadcast %add3A_211 : i32 to vector<16xi32>
      %add3A_213 = arith.addi %bitcast3A_204, %add3A_212 : vector<16xi32>
      %add3A_214 = arith.addi %add3A_213, %and3A_210 : vector<16xi32>
      %and3A_215 = arith.constant -65536 : i32
      %and3A_216 = vector.broadcast %and3A_215 : i32 to vector<16xi32>
      %and3A_217 = arith.andi %add3A_214, %and3A_216 : vector<16xi32>
      %bitcast3A_218 = vector.bitcast %and3A_217 : vector<16xi32> to vector<16xf32>
      %swap3A_219 = arith.index_cast %add3A_191 : i32 to index
      %swap3A_220 = tpu.vector_load %arg12[%swap3A_219] {strides = array<i32>} : memref<8192xf32, #tpu.memory_space<vmem>>, vector<16xf32>,
      tpu.vector_store %arg12[%swap3A_219], %bitcast3A_218 {strides = array<i32>} : memref<8192xf32, #tpu.memory_space<vmem>>, vector<16xf32>,
      %bitcast3A_221 = vector.bitcast %get3A_199 : vector<16xf32> to vector<16xi32>
      %shift_right_logical3A_222 = arith.constant 16 : i32
      %shift_right_logical3A_223 = vector.broadcast %shift_right_logical3A_222 : i32 to vector<16xi32>
      %shift_right_logical3A_224 = arith.shrui %bitcast3A_221, %shift_right_logical3A_223 : vector<16xi32>
      %and3A_225 = arith.constant 1 : i32
      %and3A_226 = vector.broadcast %and3A_225 : i32 to vector<16xi32>
      %and3A_227 = arith.andi %shift_right_logical3A_224, %and3A_226 : vector<16xi32>
      %add3A_228 = arith.constant 32767 : i32
      %add3A_229 = vector.broadcast %add3A_228 : i32 to vector<16xi32>
      %add3A_230 = arith.addi %bitcast3A_221, %add3A_229 : vector<16xi32>
      %add3A_231 = arith.addi %add3A_230, %and3A_227 : vector<16xi32>
      %and3A_232 = arith.constant -65536 : i32
      %and3A_233 = vector.broadcast %and3A_232 : i32 to vector<16xi32>
      %and3A_234 = arith.andi %add3A_231, %and3A_233 : vector<16xi32>
      %bitcast3A_235 = vector.bitcast %and3A_234 : vector<16xi32> to vector<16xf32>
      %swap3A_236 = arith.index_cast %add3A_191 : i32 to index
      %swap3A_237 = tpu.vector_load %arg13[%swap3A_236] {strides = array<i32>} : memref<8192xf32, #tpu.memory_space<vmem>>, vector<16xf32>,
      tpu.vector_store %arg13[%swap3A_236], %bitcast3A_235 {strides = array<i32>} : memref<8192xf32, #tpu.memory_space<vmem>>, vector<16xf32>,
      %bitcast3A_238 = vector.bitcast %get3A_203 : vector<16xf32> to vector<16xi32>
      %shift_right_logical3A_239 = arith.constant 16 : i32
      %shift_right_logical3A_240 = vector.broadcast %shift_right_logical3A_239 : i32 to vector<16xi32>
      %shift_right_logical3A_241 = arith.shrui %bitcast3A_238, %shift_right_logical3A_240 : vector<16xi32>
      %and3A_242 = arith.constant 1 : i32
      %and3A_243 = vector.broadcast %and3A_242 : i32 to vector<16xi32>
      %and3A_244 = arith.andi %shift_right_logical3A_241, %and3A_243 : vector<16xi32>
      %add3A_245 = arith.constant 32767 : i32
      %add3A_246 = vector.broadcast %add3A_245 : i32 to vector<16xi32>
      %add3A_247 = arith.addi %bitcast3A_238, %add3A_246 : vector<16xi32>
      %add3A_248 = arith.addi %add3A_247, %and3A_244 : vector<16xi32>
      %and3A_249 = arith.constant -65536 : i32
      %and3A_250 = vector.broadcast %and3A_249 : i32 to vector<16xi32>
      %and3A_251 = arith.andi %add3A_248, %and3A_250 : vector<16xi32>
      %bitcast3A_252 = vector.bitcast %and3A_251 : vector<16xi32> to vector<16xf32>
      %swap3A_253 = arith.index_cast %add3A_191 : i32 to index
      %swap3A_254 = tpu.vector_load %arg14[%swap3A_253] {strides = array<i32>} : memref<8192xf32, #tpu.memory_space<vmem>>, vector<16xf32>,
      tpu.vector_store %arg14[%swap3A_253], %bitcast3A_252 {strides = array<i32>} : memref<8192xf32, #tpu.memory_space<vmem>>, vector<16xf32>,
      %mul3A_255 = arith.mulf %get3A_195, %get3A_195 : vector<16xf32>
      %mul3A_256 = arith.mulf %get3A_199, %get3A_199 : vector<16xf32>
      %add3A_257 = arith.addf %mul3A_255, %mul3A_256 : vector<16xf32>
      %mul3A_258 = arith.mulf %get3A_203, %get3A_203 : vector<16xf32>
      %add3A_259 = arith.addf %add3A_257, %mul3A_258 : vector<16xf32>
      %swap3A_260 = arith.index_cast %add3A_191 : i32 to index
      %swap3A_261 = tpu.vector_load %arg15[%swap3A_260] {strides = array<i32>} : memref<8192xf32, #tpu.memory_space<vmem>>, vector<16xf32>,
      tpu.vector_store %arg15[%swap3A_260], %add3A_259 {strides = array<i32>} : memref<8192xf32, #tpu.memory_space<vmem>>, vector<16xf32>,
      %mul3A_262 = arith.constant 64 : i32
      %mul3A_263 = arith.muli %scan3A_43, %mul3A_262 : i32
      %add3A_264 = arith.constant 48 : i32
      %add3A_265 = arith.addi %mul3A_263, %add3A_264 : i32
      %add3A_266 = arith.constant 24576 : i32
      %add3A_267 = arith.addi %add3A_266, %add3A_265 : i32
      %get3A_268 = arith.index_cast %add3A_267 : i32 to index
      %get3A_269 = tpu.vector_load %arg6[%get3A_268] {strides = array<i32>} : memref<49152xf32, #tpu.memory_space<vmem>>, vector<16xf32>,
      %add3A_270 = arith.constant 32768 : i32
      %add3A_271 = arith.addi %add3A_270, %add3A_265 : i32
      %get3A_272 = arith.index_cast %add3A_271 : i32 to index
      %get3A_273 = tpu.vector_load %arg6[%get3A_272] {strides = array<i32>} : memref<49152xf32, #tpu.memory_space<vmem>>, vector<16xf32>,
      %add3A_274 = arith.constant 40960 : i32
      %add3A_275 = arith.addi %add3A_274, %add3A_265 : i32
      %get3A_276 = arith.index_cast %add3A_275 : i32 to index
      %get3A_277 = tpu.vector_load %arg6[%get3A_276] {strides = array<i32>} : memref<49152xf32, #tpu.memory_space<vmem>>, vector<16xf32>,
      %bitcast3A_278 = vector.bitcast %get3A_269 : vector<16xf32> to vector<16xi32>
      %shift_right_logical3A_279 = arith.constant 16 : i32
      %shift_right_logical3A_280 = vector.broadcast %shift_right_logical3A_279 : i32 to vector<16xi32>
      %shift_right_logical3A_281 = arith.shrui %bitcast3A_278, %shift_right_logical3A_280 : vector<16xi32>
      %and3A_282 = arith.constant 1 : i32
      %and3A_283 = vector.broadcast %and3A_282 : i32 to vector<16xi32>
      %and3A_284 = arith.andi %shift_right_logical3A_281, %and3A_283 : vector<16xi32>
      %add3A_285 = arith.constant 32767 : i32
      %add3A_286 = vector.broadcast %add3A_285 : i32 to vector<16xi32>
      %add3A_287 = arith.addi %bitcast3A_278, %add3A_286 : vector<16xi32>
      %add3A_288 = arith.addi %add3A_287, %and3A_284 : vector<16xi32>
      %and3A_289 = arith.constant -65536 : i32
      %and3A_290 = vector.broadcast %and3A_289 : i32 to vector<16xi32>
      %and3A_291 = arith.andi %add3A_288, %and3A_290 : vector<16xi32>
      %bitcast3A_292 = vector.bitcast %and3A_291 : vector<16xi32> to vector<16xf32>
      %swap3A_293 = arith.index_cast %add3A_265 : i32 to index
      %swap3A_294 = tpu.vector_load %arg12[%swap3A_293] {strides = array<i32>} : memref<8192xf32, #tpu.memory_space<vmem>>, vector<16xf32>,
      tpu.vector_store %arg12[%swap3A_293], %bitcast3A_292 {strides = array<i32>} : memref<8192xf32, #tpu.memory_space<vmem>>, vector<16xf32>,
      %bitcast3A_295 = vector.bitcast %get3A_273 : vector<16xf32> to vector<16xi32>
      %shift_right_logical3A_296 = arith.constant 16 : i32
      %shift_right_logical3A_297 = vector.broadcast %shift_right_logical3A_296 : i32 to vector<16xi32>
      %shift_right_logical3A_298 = arith.shrui %bitcast3A_295, %shift_right_logical3A_297 : vector<16xi32>
      %and3A_299 = arith.constant 1 : i32
      %and3A_300 = vector.broadcast %and3A_299 : i32 to vector<16xi32>
      %and3A_301 = arith.andi %shift_right_logical3A_298, %and3A_300 : vector<16xi32>
      %add3A_302 = arith.constant 32767 : i32
      %add3A_303 = vector.broadcast %add3A_302 : i32 to vector<16xi32>
      %add3A_304 = arith.addi %bitcast3A_295, %add3A_303 : vector<16xi32>
      %add3A_305 = arith.addi %add3A_304, %and3A_301 : vector<16xi32>
      %and3A_306 = arith.constant -65536 : i32
      %and3A_307 = vector.broadcast %and3A_306 : i32 to vector<16xi32>
      %and3A_308 = arith.andi %add3A_305, %and3A_307 : vector<16xi32>
      %bitcast3A_309 = vector.bitcast %and3A_308 : vector<16xi32> to vector<16xf32>
      %swap3A_310 = arith.index_cast %add3A_265 : i32 to index
      %swap3A_311 = tpu.vector_load %arg13[%swap3A_310] {strides = array<i32>} : memref<8192xf32, #tpu.memory_space<vmem>>, vector<16xf32>,
      tpu.vector_store %arg13[%swap3A_310], %bitcast3A_309 {strides = array<i32>} : memref<8192xf32, #tpu.memory_space<vmem>>, vector<16xf32>,
      %bitcast3A_312 = vector.bitcast %get3A_277 : vector<16xf32> to vector<16xi32>
      %shift_right_logical3A_313 = arith.constant 16 : i32
      %shift_right_logical3A_314 = vector.broadcast %shift_right_logical3A_313 : i32 to vector<16xi32>
      %shift_right_logical3A_315 = arith.shrui %bitcast3A_312, %shift_right_logical3A_314 : vector<16xi32>
      %and3A_316 = arith.constant 1 : i32
      %and3A_317 = vector.broadcast %and3A_316 : i32 to vector<16xi32>
      %and3A_318 = arith.andi %shift_right_logical3A_315, %and3A_317 : vector<16xi32>
      %add3A_319 = arith.constant 32767 : i32
      %add3A_320 = vector.broadcast %add3A_319 : i32 to vector<16xi32>
      %add3A_321 = arith.addi %bitcast3A_312, %add3A_320 : vector<16xi32>
      %add3A_322 = arith.addi %add3A_321, %and3A_318 : vector<16xi32>
      %and3A_323 = arith.constant -65536 : i32
      %and3A_324 = vector.broadcast %and3A_323 : i32 to vector<16xi32>
      %and3A_325 = arith.andi %add3A_322, %and3A_324 : vector<16xi32>
      %bitcast3A_326 = vector.bitcast %and3A_325 : vector<16xi32> to vector<16xf32>
      %swap3A_327 = arith.index_cast %add3A_265 : i32 to index
      %swap3A_328 = tpu.vector_load %arg14[%swap3A_327] {strides = array<i32>} : memref<8192xf32, #tpu.memory_space<vmem>>, vector<16xf32>,
      tpu.vector_store %arg14[%swap3A_327], %bitcast3A_326 {strides = array<i32>} : memref<8192xf32, #tpu.memory_space<vmem>>, vector<16xf32>,
      %mul3A_329 = arith.mulf %get3A_269, %get3A_269 : vector<16xf32>
      %mul3A_330 = arith.mulf %get3A_273, %get3A_273 : vector<16xf32>
      %add3A_331 = arith.addf %mul3A_329, %mul3A_330 : vector<16xf32>
      %mul3A_332 = arith.mulf %get3A_277, %get3A_277 : vector<16xf32>
      %add3A_333 = arith.addf %add3A_331, %mul3A_332 : vector<16xf32>
      %swap3A_334 = arith.index_cast %add3A_265 : i32 to index
      %swap3A_335 = tpu.vector_load %arg15[%swap3A_334] {strides = array<i32>} : memref<8192xf32, #tpu.memory_space<vmem>>, vector<16xf32>,
      tpu.vector_store %arg15[%swap3A_334], %add3A_333 {strides = array<i32>} : memref<8192xf32, #tpu.memory_space<vmem>>, vector<16xf32>,
    }
    %scan3A_36 = arith.constant 128 : i32
    %scan3A_37 = arith.constant 0 : i32
    %scan3A_38 = arith.constant 0 : i32
    %scan3A_39 = arith.constant 128 : i32
    %scan3A_40 = arith.addi %scan3A_38, %scan3A_39 : i32
    %scan3A_41 = arith.constant 1 : i32
    scf.for %scan3A_43 = %scan3A_38 to %scan3A_40 step %scan3A_41  : i32 {
      %add3A_44 = vector.broadcast %scan3A_43 : i32 to vector<16xi32>
      %add3A_45 = arith.addi %broadcast_in_dim3A_31, %add3A_44 : vector<16xi32>
      %gather3A = tpu.vector_load_idx %arg7[%add3A_45] : memref<384xf32, #tpu.memory_space<vmem>>[vector<16xi32>], vector<16xf32>,
      %add3A_46 = arith.constant 128 : i32
      %add3A_47 = vector.broadcast %add3A_46 : i32 to vector<16xi32>
      %add3A_48 = arith.addi %add3A_45, %add3A_47 : vector<16xi32>
      %gather3A_49 = tpu.vector_load_idx %arg7[%add3A_48] : memref<384xf32, #tpu.memory_space<vmem>>[vector<16xi32>], vector<16xf32>,
      %add3A_50 = arith.constant 256 : i32
      %add3A_51 = vector.broadcast %add3A_50 : i32 to vector<16xi32>
      %add3A_52 = arith.addi %add3A_45, %add3A_51 : vector<16xi32>
      %gather3A_53 = tpu.vector_load_idx %arg7[%add3A_52] : memref<384xf32, #tpu.memory_space<vmem>>[vector<16xi32>], vector<16xf32>,
      %bitcast3A = vector.bitcast %gather3A : vector<16xf32> to vector<16xi32>
      %shift_right_logical3A = arith.constant 16 : i32
      %shift_right_logical3A_54 = vector.broadcast %shift_right_logical3A : i32 to vector<16xi32>
      %shift_right_logical3A_55 = arith.shrui %bitcast3A, %shift_right_logical3A_54 : vector<16xi32>
      %and3A_56 = arith.constant 1 : i32
      %and3A_57 = vector.broadcast %and3A_56 : i32 to vector<16xi32>
      %and3A_58 = arith.andi %shift_right_logical3A_55, %and3A_57 : vector<16xi32>
      %add3A_59 = arith.constant 32767 : i32
      %add3A_60 = vector.broadcast %add3A_59 : i32 to vector<16xi32>
      %add3A_61 = arith.addi %bitcast3A, %add3A_60 : vector<16xi32>
      %add3A_62 = arith.addi %add3A_61, %and3A_58 : vector<16xi32>
      %and3A_63 = arith.constant -65536 : i32
      %and3A_64 = vector.broadcast %and3A_63 : i32 to vector<16xi32>
      %and3A_65 = arith.andi %add3A_62, %and3A_64 : vector<16xi32>
      %bitcast3A_66 = vector.bitcast %and3A_65 : vector<16xi32> to vector<16xf32>
      %bitcast3A_67 = vector.bitcast %gather3A_49 : vector<16xf32> to vector<16xi32>
      %shift_right_logical3A_68 = arith.constant 16 : i32
      %shift_right_logical3A_69 = vector.broadcast %shift_right_logical3A_68 : i32 to vector<16xi32>
      %shift_right_logical3A_70 = arith.shrui %bitcast3A_67, %shift_right_logical3A_69 : vector<16xi32>
      %and3A_71 = arith.constant 1 : i32
      %and3A_72 = vector.broadcast %and3A_71 : i32 to vector<16xi32>
      %and3A_73 = arith.andi %shift_right_logical3A_70, %and3A_72 : vector<16xi32>
      %add3A_74 = arith.constant 32767 : i32
      %add3A_75 = vector.broadcast %add3A_74 : i32 to vector<16xi32>
      %add3A_76 = arith.addi %bitcast3A_67, %add3A_75 : vector<16xi32>
      %add3A_77 = arith.addi %add3A_76, %and3A_73 : vector<16xi32>
      %and3A_78 = arith.constant -65536 : i32
      %and3A_79 = vector.broadcast %and3A_78 : i32 to vector<16xi32>
      %and3A_80 = arith.andi %add3A_77, %and3A_79 : vector<16xi32>
      %bitcast3A_81 = vector.bitcast %and3A_80 : vector<16xi32> to vector<16xf32>
      %bitcast3A_82 = vector.bitcast %gather3A_53 : vector<16xf32> to vector<16xi32>
      %shift_right_logical3A_83 = arith.constant 16 : i32
      %shift_right_logical3A_84 = vector.broadcast %shift_right_logical3A_83 : i32 to vector<16xi32>
      %shift_right_logical3A_85 = arith.shrui %bitcast3A_82, %shift_right_logical3A_84 : vector<16xi32>
      %and3A_86 = arith.constant 1 : i32
      %and3A_87 = vector.broadcast %and3A_86 : i32 to vector<16xi32>
      %and3A_88 = arith.andi %shift_right_logical3A_85, %and3A_87 : vector<16xi32>
      %add3A_89 = arith.constant 32767 : i32
      %add3A_90 = vector.broadcast %add3A_89 : i32 to vector<16xi32>
      %add3A_91 = arith.addi %bitcast3A_82, %add3A_90 : vector<16xi32>
      %add3A_92 = arith.addi %add3A_91, %and3A_88 : vector<16xi32>
      %and3A_93 = arith.constant -65536 : i32
      %and3A_94 = vector.broadcast %and3A_93 : i32 to vector<16xi32>
      %and3A_95 = arith.andi %add3A_92, %and3A_94 : vector<16xi32>
      %bitcast3A_96 = vector.bitcast %and3A_95 : vector<16xi32> to vector<16xf32>
      %mul3A_97 = arith.mulf %gather3A, %gather3A : vector<16xf32>
      %mul3A_98 = arith.mulf %gather3A_49, %gather3A_49 : vector<16xf32>
      %add3A_99 = arith.addf %mul3A_97, %mul3A_98 : vector<16xf32>
      %mul3A_100 = arith.mulf %gather3A_53, %gather3A_53 : vector<16xf32>
      %add3A_101 = arith.addf %add3A_99, %mul3A_100 : vector<16xf32>
      %while3A = arith.constant 0 : i32
      %while3A_102 = arith.constant 0 : i32
      %while3A_103 = arith.constant 0 : i32
      %while3A_104:3 = scf.while (%while3A_259 = %while3A, %while3A_260 = %while3A_102, %while3A_261 = %while3A_103) : (i32, i32, i32) -> (i32, i32, i32) {
        %lt3A_262 = arith.constant 256 : i32
        %lt3A_263 = arith.cmpi slt, %while3A_259, %lt3A_262 : i32
        %lt3A_264 = arith.constant 16 : i32
        %lt3A_265 = arith.cmpi slt, %while3A_260, %lt3A_264 : i32
        %lt3A_266 = arith.constant 32 : i32
        %lt3A_267 = arith.cmpi slt, %while3A_261, %lt3A_266 : i32
        %or3A = arith.ori %lt3A_265, %lt3A_267 : i1
        %and3A_268 = arith.andi %lt3A_263, %or3A : i1
        scf.condition(%and3A_268) %while3A_259, %while3A_260, %while3A_261 : i32, i32, i32
      } do {
      ^bb0(%while3A_259: i32, %while3A_260: i32, %while3A_261: i32):
        %mul3A_262 = arith.constant 32 : i32
        %mul3A_263 = arith.muli %while3A_259, %mul3A_262 : i32
        %add3A_264 = arith.constant 0 : i32
        %add3A_265 = arith.addi %mul3A_263, %add3A_264 : i32
        %get3A_266 = arith.index_cast %add3A_265 : i32 to index
        %get3A_267 = tpu.vector_load %arg12[%get3A_266] {strides = array<i32>} : memref<8192xf32, #tpu.memory_space<vmem>>, vector<16xf32>,
        %get3A_268 = arith.index_cast %add3A_265 : i32 to index
        %get3A_269 = tpu.vector_load %arg13[%get3A_268] {strides = array<i32>} : memref<8192xf32, #tpu.memory_space<vmem>>, vector<16xf32>,
        %get3A_270 = arith.index_cast %add3A_265 : i32 to index
        %get3A_271 = tpu.vector_load %arg14[%get3A_270] {strides = array<i32>} : memref<8192xf32, #tpu.memory_space<vmem>>, vector<16xf32>,
        %get3A_272 = arith.index_cast %add3A_265 : i32 to index
        %get3A_273 = tpu.vector_load %arg15[%get3A_272] {strides = array<i32>} : memref<8192xf32, #tpu.memory_space<vmem>>, vector<16xf32>,
        %mul3A_274 = arith.mulf %bitcast3A_66, %get3A_267 : vector<16xf32>
        %mul3A_275 = arith.mulf %bitcast3A_81, %get3A_269 : vector<16xf32>
        %add3A_276 = arith.addf %mul3A_274, %mul3A_275 : vector<16xf32>
        %mul3A_277 = arith.mulf %bitcast3A_96, %get3A_271 : vector<16xf32>
        %add3A_278 = arith.addf %add3A_276, %mul3A_277 : vector<16xf32>
        %add3A_279 = arith.addf %add3A_101, %get3A_273 : vector<16xf32>
        %mul3A_280 = arith.constant 2.000000e+00 : f32
        %mul3A_281 = vector.broadcast %mul3A_280 : f32 to vector<16xf32>
        %mul3A_282 = arith.mulf %mul3A_281, %add3A_278 : vector<16xf32>
        %sub3A_283 = arith.subf %add3A_279, %mul3A_282 : vector<16xf32>
        %add3A_284 = vector.broadcast %add3A_265 : i32 to vector<16xi32>
        %add3A_285 = arith.addi %iota3A, %add3A_284 : vector<16xi32>
        %le3A = arith.constant 4.000000e-02 : f32
        %le3A_286 = vector.broadcast %le3A : f32 to vector<16xf32>
        %le3A_287 = arith.cmpf ole, %sub3A_283, %le3A_286 : vector<16xf32>
        %add3A_288 = vector.broadcast %while3A_260 : i32 to vector<16xi32>
        %add3A_289 = arith.addi %broadcast_in_dim3A_31, %add3A_288 : vector<16xi32>
        %lt3A_290 = arith.constant 16 : i32
        %lt3A_291 = vector.broadcast %lt3A_290 : i32 to vector<16xi32>
        %lt3A_292 = arith.cmpi slt, %add3A_289, %lt3A_291 : vector<16xi32>
        %and3A_293 = arith.andi %le3A_287, %lt3A_292 : vector<16xi1>
        %le3A_294 = arith.constant 1.600000e-01 : f32
        %le3A_295 = vector.broadcast %le3A_294 : f32 to vector<16xf32>
        %le3A_296 = arith.cmpf ole, %sub3A_283, %le3A_295 : vector<16xf32>
        %add3A_297 = vector.broadcast %while3A_261 : i32 to vector<16xi32>
        %add3A_298 = arith.addi %broadcast_in_dim3A_31, %add3A_297 : vector<16xi32>
        %lt3A_299 = arith.constant 32 : i32
        %lt3A_300 = vector.broadcast %lt3A_299 : i32 to vector<16xi32>
        %lt3A_301 = arith.cmpi slt, %add3A_298, %lt3A_300 : vector<16xi32>
        %and3A_302 = arith.andi %le3A_296, %lt3A_301 : vector<16xi1>
        %add3A_303 = vector.broadcast %while3A_260 : i32 to vector<16xi32>
        %add3A_304 = arith.addi %broadcast_in_dim3A_31, %add3A_303 : vector<16xi32>
        %convert_element_type3A = arith.extui %and3A_293 : vector<16xi1> to vector<16xi32>
        %cumsum3A = arith.constant true
        %cumsum3A_305 = vector.broadcast %cumsum3A : i1 to vector<16xi1>
        %cumsum3A_306 = tpu.scan <sum>, %convert_element_type3A masked %cumsum3A_305 : vector<16xi32>, vector<16xi1> -> vector<16xi32>
        %add3A_307 = arith.addi %add3A_304, %cumsum3A_306 : vector<16xi32>
        %sub3A_308 = arith.constant 1 : i32
        %sub3A_309 = vector.broadcast %sub3A_308 : i32 to vector<16xi32>
        %sub3A_310 = arith.subi %add3A_307, %sub3A_309 : vector<16xi32>
        %add3A_311 = vector.broadcast %while3A_261 : i32 to vector<16xi32>
        %add3A_312 = arith.addi %broadcast_in_dim3A_31, %add3A_311 : vector<16xi32>
        %convert_element_type3A_313 = arith.extui %and3A_302 : vector<16xi1> to vector<16xi32>
        %cumsum3A_314 = arith.constant true
        %cumsum3A_315 = vector.broadcast %cumsum3A_314 : i1 to vector<16xi1>
        %cumsum3A_316 = tpu.scan <sum>, %convert_element_type3A_313 masked %cumsum3A_315 : vector<16xi32>, vector<16xi1> -> vector<16xi32>
        %add3A_317 = arith.addi %add3A_312, %cumsum3A_316 : vector<16xi32>
        %sub3A_318 = arith.constant 1 : i32
        %sub3A_319 = vector.broadcast %sub3A_318 : i32 to vector<16xi32>
        %sub3A_320 = arith.subi %add3A_317, %sub3A_319 : vector<16xi32>
        tpu.vector_store_idx %arg8[%sub3A_310], %add3A_285 masked %and3A_293 : memref<32xi32, #tpu.memory_space<vmem>>[vector<16xi32>], vector<16xi32>, vector<16xi1>
        tpu.vector_store_idx %arg9[%sub3A_320], %add3A_285 masked %and3A_302 : memref<48xi32, #tpu.memory_space<vmem>>[vector<16xi32>], vector<16xi32>, vector<16xi1>
        %convert_element_type3A_321 = arith.extui %and3A_293 : vector<16xi1> to vector<16xi32>
        %reduce_sum3A = arith.constant true
        %reduce_sum3A_322 = vector.broadcast %reduce_sum3A : i1 to vector<16xi1>
        %reduce_sum3A_323 = tpu.scan <sum>, %convert_element_type3A_321 masked %reduce_sum3A_322 : vector<16xi32>, vector<16xi1> -> vector<16xi32>
        %reduce_sum3A_324 = vector.extract %reduce_sum3A_323[15] : i32 from vector<16xi32>
        %add3A_325 = arith.addi %while3A_260, %reduce_sum3A_324 : i32
        %convert_element_type3A_326 = arith.extui %and3A_302 : vector<16xi1> to vector<16xi32>
        %reduce_sum3A_327 = arith.constant true
        %reduce_sum3A_328 = vector.broadcast %reduce_sum3A_327 : i1 to vector<16xi1>
        %reduce_sum3A_329 = tpu.scan <sum>, %convert_element_type3A_326 masked %reduce_sum3A_328 : vector<16xi32>, vector<16xi1> -> vector<16xi32>
        %reduce_sum3A_330 = vector.extract %reduce_sum3A_329[15] : i32 from vector<16xi32>
        %add3A_331 = arith.addi %while3A_261, %reduce_sum3A_330 : i32
        %mul3A_332 = arith.constant 32 : i32
        %mul3A_333 = arith.muli %while3A_259, %mul3A_332 : i32
        %add3A_334 = arith.constant 16 : i32
        %add3A_335 = arith.addi %mul3A_333, %add3A_334 : i32
        %get3A_336 = arith.index_cast %add3A_335 : i32 to index
        %get3A_337 = tpu.vector_load %arg12[%get3A_336] {strides = array<i32>} : memref<8192xf32, #tpu.memory_space<vmem>>, vector<16xf32>,
        %get3A_338 = arith.index_cast %add3A_335 : i32 to index
        %get3A_339 = tpu.vector_load %arg13[%get3A_338] {strides = array<i32>} : memref<8192xf32, #tpu.memory_space<vmem>>, vector<16xf32>,
        %get3A_340 = arith.index_cast %add3A_335 : i32 to index
        %get3A_341 = tpu.vector_load %arg14[%get3A_340] {strides = array<i32>} : memref<8192xf32, #tpu.memory_space<vmem>>, vector<16xf32>,
        %get3A_342 = arith.index_cast %add3A_335 : i32 to index
        %get3A_343 = tpu.vector_load %arg15[%get3A_342] {strides = array<i32>} : memref<8192xf32, #tpu.memory_space<vmem>>, vector<16xf32>,
        %mul3A_344 = arith.mulf %bitcast3A_66, %get3A_337 : vector<16xf32>
        %mul3A_345 = arith.mulf %bitcast3A_81, %get3A_339 : vector<16xf32>
        %add3A_346 = arith.addf %mul3A_344, %mul3A_345 : vector<16xf32>
        %mul3A_347 = arith.mulf %bitcast3A_96, %get3A_341 : vector<16xf32>
        %add3A_348 = arith.addf %add3A_346, %mul3A_347 : vector<16xf32>
        %add3A_349 = arith.addf %add3A_101, %get3A_343 : vector<16xf32>
        %mul3A_350 = arith.constant 2.000000e+00 : f32
        %mul3A_351 = vector.broadcast %mul3A_350 : f32 to vector<16xf32>
        %mul3A_352 = arith.mulf %mul3A_351, %add3A_348 : vector<16xf32>
        %sub3A_353 = arith.subf %add3A_349, %mul3A_352 : vector<16xf32>
        %add3A_354 = vector.broadcast %add3A_335 : i32 to vector<16xi32>
        %add3A_355 = arith.addi %iota3A, %add3A_354 : vector<16xi32>
        %le3A_356 = arith.constant 4.000000e-02 : f32
        %le3A_357 = vector.broadcast %le3A_356 : f32 to vector<16xf32>
        %le3A_358 = arith.cmpf ole, %sub3A_353, %le3A_357 : vector<16xf32>
        %add3A_359 = vector.broadcast %add3A_325 : i32 to vector<16xi32>
        %add3A_360 = arith.addi %broadcast_in_dim3A_31, %add3A_359 : vector<16xi32>
        %lt3A_361 = arith.constant 16 : i32
        %lt3A_362 = vector.broadcast %lt3A_361 : i32 to vector<16xi32>
        %lt3A_363 = arith.cmpi slt, %add3A_360, %lt3A_362 : vector<16xi32>
        %and3A_364 = arith.andi %le3A_358, %lt3A_363 : vector<16xi1>
        %le3A_365 = arith.constant 1.600000e-01 : f32
        %le3A_366 = vector.broadcast %le3A_365 : f32 to vector<16xf32>
        %le3A_367 = arith.cmpf ole, %sub3A_353, %le3A_366 : vector<16xf32>
        %add3A_368 = vector.broadcast %add3A_331 : i32 to vector<16xi32>
        %add3A_369 = arith.addi %broadcast_in_dim3A_31, %add3A_368 : vector<16xi32>
        %lt3A_370 = arith.constant 32 : i32
        %lt3A_371 = vector.broadcast %lt3A_370 : i32 to vector<16xi32>
        %lt3A_372 = arith.cmpi slt, %add3A_369, %lt3A_371 : vector<16xi32>
        %and3A_373 = arith.andi %le3A_367, %lt3A_372 : vector<16xi1>
        %add3A_374 = vector.broadcast %add3A_325 : i32 to vector<16xi32>
        %add3A_375 = arith.addi %broadcast_in_dim3A_31, %add3A_374 : vector<16xi32>
        %convert_element_type3A_376 = arith.extui %and3A_364 : vector<16xi1> to vector<16xi32>
        %cumsum3A_377 = arith.constant true
        %cumsum3A_378 = vector.broadcast %cumsum3A_377 : i1 to vector<16xi1>
        %cumsum3A_379 = tpu.scan <sum>, %convert_element_type3A_376 masked %cumsum3A_378 : vector<16xi32>, vector<16xi1> -> vector<16xi32>
        %add3A_380 = arith.addi %add3A_375, %cumsum3A_379 : vector<16xi32>
        %sub3A_381 = arith.constant 1 : i32
        %sub3A_382 = vector.broadcast %sub3A_381 : i32 to vector<16xi32>
        %sub3A_383 = arith.subi %add3A_380, %sub3A_382 : vector<16xi32>
        %add3A_384 = vector.broadcast %add3A_331 : i32 to vector<16xi32>
        %add3A_385 = arith.addi %broadcast_in_dim3A_31, %add3A_384 : vector<16xi32>
        %convert_element_type3A_386 = arith.extui %and3A_373 : vector<16xi1> to vector<16xi32>
        %cumsum3A_387 = arith.constant true
        %cumsum3A_388 = vector.broadcast %cumsum3A_387 : i1 to vector<16xi1>
        %cumsum3A_389 = tpu.scan <sum>, %convert_element_type3A_386 masked %cumsum3A_388 : vector<16xi32>, vector<16xi1> -> vector<16xi32>
        %add3A_390 = arith.addi %add3A_385, %cumsum3A_389 : vector<16xi32>
        %sub3A_391 = arith.constant 1 : i32
        %sub3A_392 = vector.broadcast %sub3A_391 : i32 to vector<16xi32>
        %sub3A_393 = arith.subi %add3A_390, %sub3A_392 : vector<16xi32>
        tpu.vector_store_idx %arg8[%sub3A_383], %add3A_355 masked %and3A_364 : memref<32xi32, #tpu.memory_space<vmem>>[vector<16xi32>], vector<16xi32>, vector<16xi1>
        tpu.vector_store_idx %arg9[%sub3A_393], %add3A_355 masked %and3A_373 : memref<48xi32, #tpu.memory_space<vmem>>[vector<16xi32>], vector<16xi32>, vector<16xi1>
        %convert_element_type3A_394 = arith.extui %and3A_364 : vector<16xi1> to vector<16xi32>
        %reduce_sum3A_395 = arith.constant true
        %reduce_sum3A_396 = vector.broadcast %reduce_sum3A_395 : i1 to vector<16xi1>
        %reduce_sum3A_397 = tpu.scan <sum>, %convert_element_type3A_394 masked %reduce_sum3A_396 : vector<16xi32>, vector<16xi1> -> vector<16xi32>
        %reduce_sum3A_398 = vector.extract %reduce_sum3A_397[15] : i32 from vector<16xi32>
        %add3A_399 = arith.addi %add3A_325, %reduce_sum3A_398 : i32
        %convert_element_type3A_400 = arith.extui %and3A_373 : vector<16xi1> to vector<16xi32>
        %reduce_sum3A_401 = arith.constant true
        %reduce_sum3A_402 = vector.broadcast %reduce_sum3A_401 : i1 to vector<16xi1>
        %reduce_sum3A_403 = tpu.scan <sum>, %convert_element_type3A_400 masked %reduce_sum3A_402 : vector<16xi32>, vector<16xi1> -> vector<16xi32>
        %reduce_sum3A_404 = vector.extract %reduce_sum3A_403[15] : i32 from vector<16xi32>
        %add3A_405 = arith.addi %add3A_331, %reduce_sum3A_404 : i32
        %add3A_406 = arith.constant 1 : i32
        %add3A_407 = arith.addi %while3A_259, %add3A_406 : i32
        scf.yield %add3A_407, %add3A_399, %add3A_405 : i32, i32, i32
      }
      %get3A = arith.constant 0 : index
      %get3A_105 = tpu.vector_load %arg8[%get3A] {strides = array<i32>} : memref<32xi32, #tpu.memory_space<vmem>>, vector<16xi32>,
      %gather3A_106 = tpu.vector_load_idx %arg8[%broadcast_in_dim3A_31] : memref<32xi32, #tpu.memory_space<vmem>>[vector<16xi32>], vector<16xi32>,
      %add3A_107 = vector.broadcast %while3A_104#1 : i32 to vector<16xi32>
      %add3A_108 = arith.addi %broadcast_in_dim3A_31, %add3A_107 : vector<16xi32>
      %lt3A_109 = arith.cmpi slt, %iota3A, %add3A_108 : vector<16xi32>
      %select_n3A_110 = arith.select %lt3A_109, %get3A_105, %gather3A_106 : vector<16xi1>, vector<16xi32>
      %get3A_111 = arith.constant 0 : index
      %get3A_112 = tpu.vector_load %arg9[%get3A_111] {strides = array<i32>} : memref<48xi32, #tpu.memory_space<vmem>>, vector<16xi32>,
      %get3A_113 = arith.constant 16 : index
      %get3A_114 = tpu.vector_load %arg9[%get3A_113] {strides = array<i32>} : memref<48xi32, #tpu.memory_space<vmem>>, vector<16xi32>,
      %gather3A_115 = tpu.vector_load_idx %arg9[%broadcast_in_dim3A_31] : memref<48xi32, #tpu.memory_space<vmem>>[vector<16xi32>], vector<16xi32>,
      %add3A_116 = vector.broadcast %while3A_104#2 : i32 to vector<16xi32>
      %add3A_117 = arith.addi %broadcast_in_dim3A_31, %add3A_116 : vector<16xi32>
      %lt3A_118 = arith.cmpi slt, %iota3A, %add3A_117 : vector<16xi32>
      %select_n3A_119 = arith.select %lt3A_118, %get3A_112, %gather3A_115 : vector<16xi1>, vector<16xi32>
      %add3A_120 = arith.constant 16 : i32
      %add3A_121 = vector.broadcast %add3A_120 : i32 to vector<16xi32>
      %add3A_122 = arith.addi %iota3A, %add3A_121 : vector<16xi32>
      %add3A_123 = vector.broadcast %while3A_104#2 : i32 to vector<16xi32>
      %add3A_124 = arith.addi %broadcast_in_dim3A_31, %add3A_123 : vector<16xi32>
      %lt3A_125 = arith.cmpi slt, %add3A_122, %add3A_124 : vector<16xi32>
      %select_n3A_126 = arith.select %lt3A_125, %get3A_114, %gather3A_115 : vector<16xi1>, vector<16xi32>
      %mul3A_127 = arith.constant 128 : i32
      %mul3A_128 = vector.broadcast %mul3A_127 : i32 to vector<16xi32>
      %mul3A_129 = arith.muli %iota3A, %mul3A_128 : vector<16xi32>
      %add3A_130 = arith.addi %mul3A_129, %add3A_45 : vector<16xi32>
      %mul3A_131 = arith.constant 128 : i32
      %mul3A_132 = vector.broadcast %mul3A_131 : i32 to vector<16xi32>
      %mul3A_133 = arith.muli %iota3A, %mul3A_132 : vector<16xi32>
      %add3A_134 = arith.addi %mul3A_133, %add3A_45 : vector<16xi32>
      %add3A_135 = arith.constant 16 : i32
      %add3A_136 = vector.broadcast %add3A_135 : i32 to vector<16xi32>
      %add3A_137 = arith.addi %iota3A, %add3A_136 : vector<16xi32>
      %mul3A_138 = arith.constant 128 : i32
      %mul3A_139 = vector.broadcast %mul3A_138 : i32 to vector<16xi32>
      %mul3A_140 = arith.muli %add3A_137, %mul3A_139 : vector<16xi32>
      %add3A_141 = arith.addi %mul3A_140, %add3A_45 : vector<16xi32>
      %add3A_142 = arith.constant 0 : i32
      %add3A_143 = vector.broadcast %add3A_142 : i32 to vector<16xi32>
      %add3A_144 = arith.addi %broadcast_in_dim3A_31, %add3A_143 : vector<16xi32>
      %add3A_145 = arith.addi %select_n3A_110, %add3A_144 : vector<16xi32>
      %gather3A_146 = tpu.vector_load_idx %arg6[%add3A_145] : memref<49152xf32, #tpu.memory_space<vmem>>[vector<16xi32>], vector<16xf32>,
      %add3A_147 = arith.addi %select_n3A_119, %add3A_144 : vector<16xi32>
      %gather3A_148 = tpu.vector_load_idx %arg6[%add3A_147] : memref<49152xf32, #tpu.memory_space<vmem>>[vector<16xi32>], vector<16xf32>,
      %add3A_149 = arith.addi %select_n3A_126, %add3A_144 : vector<16xi32>
      %gather3A_150 = tpu.vector_load_idx %arg6[%add3A_149] : memref<49152xf32, #tpu.memory_space<vmem>>[vector<16xi32>], vector<16xf32>,
      %add3A_151 = arith.constant 0 : i32
      %add3A_152 = vector.broadcast %add3A_151 : i32 to vector<16xi32>
      %add3A_153 = arith.addi %add3A_130, %add3A_152 : vector<16xi32>
      tpu.vector_store_idx %arg10[%add3A_153], %gather3A_146 : memref<12288xf32, #tpu.memory_space<vmem>>[vector<16xi32>], vector<16xf32>,
      %add3A_154 = arith.constant 0 : i32
      %add3A_155 = vector.broadcast %add3A_154 : i32 to vector<16xi32>
      %add3A_156 = arith.addi %add3A_134, %add3A_155 : vector<16xi32>
      tpu.vector_store_idx %arg11[%add3A_156], %gather3A_148 : memref<24576xf32, #tpu.memory_space<vmem>>[vector<16xi32>], vector<16xf32>,
      %add3A_157 = arith.constant 0 : i32
      %add3A_158 = vector.broadcast %add3A_157 : i32 to vector<16xi32>
      %add3A_159 = arith.addi %add3A_141, %add3A_158 : vector<16xi32>
      tpu.vector_store_idx %arg11[%add3A_159], %gather3A_150 : memref<24576xf32, #tpu.memory_space<vmem>>[vector<16xi32>], vector<16xf32>,
      %add3A_160 = arith.constant 8192 : i32
      %add3A_161 = vector.broadcast %add3A_160 : i32 to vector<16xi32>
      %add3A_162 = arith.addi %broadcast_in_dim3A_31, %add3A_161 : vector<16xi32>
      %add3A_163 = arith.addi %select_n3A_110, %add3A_162 : vector<16xi32>
      %gather3A_164 = tpu.vector_load_idx %arg6[%add3A_163] : memref<49152xf32, #tpu.memory_space<vmem>>[vector<16xi32>], vector<16xf32>,
      %add3A_165 = arith.addi %select_n3A_119, %add3A_162 : vector<16xi32>
      %gather3A_166 = tpu.vector_load_idx %arg6[%add3A_165] : memref<49152xf32, #tpu.memory_space<vmem>>[vector<16xi32>], vector<16xf32>,
      %add3A_167 = arith.addi %select_n3A_126, %add3A_162 : vector<16xi32>
      %gather3A_168 = tpu.vector_load_idx %arg6[%add3A_167] : memref<49152xf32, #tpu.memory_space<vmem>>[vector<16xi32>], vector<16xf32>,
      %add3A_169 = arith.constant 2048 : i32
      %add3A_170 = vector.broadcast %add3A_169 : i32 to vector<16xi32>
      %add3A_171 = arith.addi %add3A_130, %add3A_170 : vector<16xi32>
      tpu.vector_store_idx %arg10[%add3A_171], %gather3A_164 : memref<12288xf32, #tpu.memory_space<vmem>>[vector<16xi32>], vector<16xf32>,
      %add3A_172 = arith.constant 4096 : i32
      %add3A_173 = vector.broadcast %add3A_172 : i32 to vector<16xi32>
      %add3A_174 = arith.addi %add3A_134, %add3A_173 : vector<16xi32>
      tpu.vector_store_idx %arg11[%add3A_174], %gather3A_166 : memref<24576xf32, #tpu.memory_space<vmem>>[vector<16xi32>], vector<16xf32>,
      %add3A_175 = arith.constant 4096 : i32
      %add3A_176 = vector.broadcast %add3A_175 : i32 to vector<16xi32>
      %add3A_177 = arith.addi %add3A_141, %add3A_176 : vector<16xi32>
      tpu.vector_store_idx %arg11[%add3A_177], %gather3A_168 : memref<24576xf32, #tpu.memory_space<vmem>>[vector<16xi32>], vector<16xf32>,
      %add3A_178 = arith.constant 16384 : i32
      %add3A_179 = vector.broadcast %add3A_178 : i32 to vector<16xi32>
      %add3A_180 = arith.addi %broadcast_in_dim3A_31, %add3A_179 : vector<16xi32>
      %add3A_181 = arith.addi %select_n3A_110, %add3A_180 : vector<16xi32>
      %gather3A_182 = tpu.vector_load_idx %arg6[%add3A_181] : memref<49152xf32, #tpu.memory_space<vmem>>[vector<16xi32>], vector<16xf32>,
      %add3A_183 = arith.addi %select_n3A_119, %add3A_180 : vector<16xi32>
      %gather3A_184 = tpu.vector_load_idx %arg6[%add3A_183] : memref<49152xf32, #tpu.memory_space<vmem>>[vector<16xi32>], vector<16xf32>,
      %add3A_185 = arith.addi %select_n3A_126, %add3A_180 : vector<16xi32>
      %gather3A_186 = tpu.vector_load_idx %arg6[%add3A_185] : memref<49152xf32, #tpu.memory_space<vmem>>[vector<16xi32>], vector<16xf32>,
      %add3A_187 = arith.constant 4096 : i32
      %add3A_188 = vector.broadcast %add3A_187 : i32 to vector<16xi32>
      %add3A_189 = arith.addi %add3A_130, %add3A_188 : vector<16xi32>
      tpu.vector_store_idx %arg10[%add3A_189], %gather3A_182 : memref<12288xf32, #tpu.memory_space<vmem>>[vector<16xi32>], vector<16xf32>,
      %add3A_190 = arith.constant 8192 : i32
      %add3A_191 = vector.broadcast %add3A_190 : i32 to vector<16xi32>
      %add3A_192 = arith.addi %add3A_134, %add3A_191 : vector<16xi32>
      tpu.vector_store_idx %arg11[%add3A_192], %gather3A_184 : memref<24576xf32, #tpu.memory_space<vmem>>[vector<16xi32>], vector<16xf32>,
      %add3A_193 = arith.constant 8192 : i32
      %add3A_194 = vector.broadcast %add3A_193 : i32 to vector<16xi32>
      %add3A_195 = arith.addi %add3A_141, %add3A_194 : vector<16xi32>
      tpu.vector_store_idx %arg11[%add3A_195], %gather3A_186 : memref<24576xf32, #tpu.memory_space<vmem>>[vector<16xi32>], vector<16xf32>,
      %add3A_196 = arith.constant 24576 : i32
      %add3A_197 = vector.broadcast %add3A_196 : i32 to vector<16xi32>
      %add3A_198 = arith.addi %broadcast_in_dim3A_31, %add3A_197 : vector<16xi32>
      %add3A_199 = arith.addi %select_n3A_110, %add3A_198 : vector<16xi32>
      %gather3A_200 = tpu.vector_load_idx %arg6[%add3A_199] : memref<49152xf32, #tpu.memory_space<vmem>>[vector<16xi32>], vector<16xf32>,
      %add3A_201 = arith.addi %select_n3A_119, %add3A_198 : vector<16xi32>
      %gather3A_202 = tpu.vector_load_idx %arg6[%add3A_201] : memref<49152xf32, #tpu.memory_space<vmem>>[vector<16xi32>], vector<16xf32>,
      %add3A_203 = arith.addi %select_n3A_126, %add3A_198 : vector<16xi32>
      %gather3A_204 = tpu.vector_load_idx %arg6[%add3A_203] : memref<49152xf32, #tpu.memory_space<vmem>>[vector<16xi32>], vector<16xf32>,
      %sub3A_205 = arith.subf %gather3A_200, %gather3A : vector<16xf32>
      %sub3A_206 = arith.subf %gather3A_202, %gather3A : vector<16xf32>
      %sub3A_207 = arith.subf %gather3A_204, %gather3A : vector<16xf32>
      %add3A_208 = arith.constant 6144 : i32
      %add3A_209 = vector.broadcast %add3A_208 : i32 to vector<16xi32>
      %add3A_210 = arith.addi %add3A_130, %add3A_209 : vector<16xi32>
      tpu.vector_store_idx %arg10[%add3A_210], %sub3A_205 : memref<12288xf32, #tpu.memory_space<vmem>>[vector<16xi32>], vector<16xf32>,
      %add3A_211 = arith.constant 12288 : i32
      %add3A_212 = vector.broadcast %add3A_211 : i32 to vector<16xi32>
      %add3A_213 = arith.addi %add3A_134, %add3A_212 : vector<16xi32>
      tpu.vector_store_idx %arg11[%add3A_213], %sub3A_206 : memref<24576xf32, #tpu.memory_space<vmem>>[vector<16xi32>], vector<16xf32>,
      %add3A_214 = arith.constant 12288 : i32
      %add3A_215 = vector.broadcast %add3A_214 : i32 to vector<16xi32>
      %add3A_216 = arith.addi %add3A_141, %add3A_215 : vector<16xi32>
      tpu.vector_store_idx %arg11[%add3A_216], %sub3A_207 : memref<24576xf32, #tpu.memory_space<vmem>>[vector<16xi32>], vector<16xf32>,
      %add3A_217 = arith.constant 32768 : i32
      %add3A_218 = vector.broadcast %add3A_217 : i32 to vector<16xi32>
      %add3A_219 = arith.addi %broadcast_in_dim3A_31, %add3A_218 : vector<16xi32>
      %add3A_220 = arith.addi %select_n3A_110, %add3A_219 : vector<16xi32>
      %gather3A_221 = tpu.vector_load_idx %arg6[%add3A_220] : memref<49152xf32, #tpu.memory_space<vmem>>[vector<16xi32>], vector<16xf32>,
      %add3A_222 = arith.addi %select_n3A_119, %add3A_219 : vector<16xi32>
      %gather3A_223 = tpu.vector_load_idx %arg6[%add3A_222] : memref<49152xf32, #tpu.memory_space<vmem>>[vector<16xi32>], vector<16xf32>,
      %add3A_224 = arith.addi %select_n3A_126, %add3A_219 : vector<16xi32>
      %gather3A_225 = tpu.vector_load_idx %arg6[%add3A_224] : memref<49152xf32, #tpu.memory_space<vmem>>[vector<16xi32>], vector<16xf32>,
      %sub3A_226 = arith.subf %gather3A_221, %gather3A_49 : vector<16xf32>
      %sub3A_227 = arith.subf %gather3A_223, %gather3A_49 : vector<16xf32>
      %sub3A_228 = arith.subf %gather3A_225, %gather3A_49 : vector<16xf32>
      %add3A_229 = arith.constant 8192 : i32
      %add3A_230 = vector.broadcast %add3A_229 : i32 to vector<16xi32>
      %add3A_231 = arith.addi %add3A_130, %add3A_230 : vector<16xi32>
      tpu.vector_store_idx %arg10[%add3A_231], %sub3A_226 : memref<12288xf32, #tpu.memory_space<vmem>>[vector<16xi32>], vector<16xf32>,
      %add3A_232 = arith.constant 16384 : i32
      %add3A_233 = vector.broadcast %add3A_232 : i32 to vector<16xi32>
      %add3A_234 = arith.addi %add3A_134, %add3A_233 : vector<16xi32>
      tpu.vector_store_idx %arg11[%add3A_234], %sub3A_227 : memref<24576xf32, #tpu.memory_space<vmem>>[vector<16xi32>], vector<16xf32>,
      %add3A_235 = arith.constant 16384 : i32
      %add3A_236 = vector.broadcast %add3A_235 : i32 to vector<16xi32>
      %add3A_237 = arith.addi %add3A_141, %add3A_236 : vector<16xi32>
      tpu.vector_store_idx %arg11[%add3A_237], %sub3A_228 : memref<24576xf32, #tpu.memory_space<vmem>>[vector<16xi32>], vector<16xf32>,
      %add3A_238 = arith.constant 40960 : i32
      %add3A_239 = vector.broadcast %add3A_238 : i32 to vector<16xi32>
      %add3A_240 = arith.addi %broadcast_in_dim3A_31, %add3A_239 : vector<16xi32>
      %add3A_241 = arith.addi %select_n3A_110, %add3A_240 : vector<16xi32>
      %gather3A_242 = tpu.vector_load_idx %arg6[%add3A_241] : memref<49152xf32, #tpu.memory_space<vmem>>[vector<16xi32>], vector<16xf32>,
      %add3A_243 = arith.addi %select_n3A_119, %add3A_240 : vector<16xi32>
      %gather3A_244 = tpu.vector_load_idx %arg6[%add3A_243] : memref<49152xf32, #tpu.memory_space<vmem>>[vector<16xi32>], vector<16xf32>,
      %add3A_245 = arith.addi %select_n3A_126, %add3A_240 : vector<16xi32>
      %gather3A_246 = tpu.vector_load_idx %arg6[%add3A_245] : memref<49152xf32, #tpu.memory_space<vmem>>[vector<16xi32>], vector<16xf32>,
      %sub3A_247 = arith.subf %gather3A_242, %gather3A_53 : vector<16xf32>
      %sub3A_248 = arith.subf %gather3A_244, %gather3A_53 : vector<16xf32>
      %sub3A_249 = arith.subf %gather3A_246, %gather3A_53 : vector<16xf32>
      %add3A_250 = arith.constant 10240 : i32
      %add3A_251 = vector.broadcast %add3A_250 : i32 to vector<16xi32>
      %add3A_252 = arith.addi %add3A_130, %add3A_251 : vector<16xi32>
      tpu.vector_store_idx %arg10[%add3A_252], %sub3A_247 : memref<12288xf32, #tpu.memory_space<vmem>>[vector<16xi32>], vector<16xf32>,
      %add3A_253 = arith.constant 20480 : i32
      %add3A_254 = vector.broadcast %add3A_253 : i32 to vector<16xi32>
      %add3A_255 = arith.addi %add3A_134, %add3A_254 : vector<16xi32>
      tpu.vector_store_idx %arg11[%add3A_255], %sub3A_248 : memref<24576xf32, #tpu.memory_space<vmem>>[vector<16xi32>], vector<16xf32>,
      %add3A_256 = arith.constant 20480 : i32
      %add3A_257 = vector.broadcast %add3A_256 : i32 to vector<16xi32>
      %add3A_258 = arith.addi %add3A_141, %add3A_257 : vector<16xi32>
      tpu.vector_store_idx %arg11[%add3A_258], %sub3A_249 : memref<24576xf32, #tpu.memory_space<vmem>>[vector<16xi32>], vector<16xf32>,
    }
    %scan3A_42 = arith.constant 128 : i32
    "tpu.region"() ({
      %run_scoped3A = tpu.sem_alloc : memref<!tpu.dma_semaphore, #tpu.memory_space<semaphore_mem>>
      %dma_start3A = arith.constant 0 : i32
      %dma_start3A_43 = tpu.memref_slice %arg4[%select_n3A, %select_n3A_30, %dma_start3A] : memref<8x4x12288xf32, #tpu.memory_space<hbm>> -> memref<1x1x12288xf32, #tpu.memory_space<hbm>>
      %dma_start3A_44 = tpu.memref_squeeze %dma_start3A_43 : memref<1x1x12288xf32, #tpu.memory_space<hbm>> -> memref<12288xf32, #tpu.memory_space<hbm>>
      %dma_start3A_45 = arith.constant 0 : i32
      %dma_start3A_46 = tpu.memref_slice %arg4[%select_n3A, %select_n3A_30, %dma_start3A_45] : memref<8x4x12288xf32, #tpu.memory_space<hbm>> -> memref<1x1x12288xf32, #tpu.memory_space<hbm>>
      %dma_start3A_47 = tpu.memref_squeeze %dma_start3A_46 : memref<1x1x12288xf32, #tpu.memory_space<hbm>> -> memref<12288xf32, #tpu.memory_space<hbm>>
      tpu.enqueue_dma source(%arg10 : memref<12288xf32, #tpu.memory_space<vmem>>) target(%dma_start3A_47 : memref<12288xf32, #tpu.memory_space<hbm>>) target_semaphore(%run_scoped3A : memref<!tpu.dma_semaphore, #tpu.memory_space<semaphore_mem>>)
      %dma_wait3A = arith.constant 0 : i32
      %dma_wait3A_48 = tpu.memref_slice %arg4[%select_n3A, %select_n3A_30, %dma_wait3A] : memref<8x4x12288xf32, #tpu.memory_space<hbm>> -> memref<1x1x12288xf32, #tpu.memory_space<hbm>>
      %dma_wait3A_49 = tpu.memref_squeeze %dma_wait3A_48 : memref<1x1x12288xf32, #tpu.memory_space<hbm>> -> memref<12288xf32, #tpu.memory_space<hbm>>
      %dma_wait3A_50 = arith.constant 0 : i32
      %dma_wait3A_51 = tpu.memref_slice %arg4[%select_n3A, %select_n3A_30, %dma_wait3A_50] : memref<8x4x12288xf32, #tpu.memory_space<hbm>> -> memref<1x1x12288xf32, #tpu.memory_space<hbm>>
      %dma_wait3A_52 = tpu.memref_squeeze %dma_wait3A_51 : memref<1x1x12288xf32, #tpu.memory_space<hbm>> -> memref<12288xf32, #tpu.memory_space<hbm>>
      tpu.wait_dma2 semaphore(%run_scoped3A : memref<!tpu.dma_semaphore, #tpu.memory_space<semaphore_mem>>) src(%arg10 : memref<12288xf32, #tpu.memory_space<vmem>>) dst(%dma_wait3A_52 : memref<12288xf32, #tpu.memory_space<hbm>>)
      tpu.yield
    }) : () -> ()
    "tpu.region"() ({
      %run_scoped3A = tpu.sem_alloc : memref<!tpu.dma_semaphore, #tpu.memory_space<semaphore_mem>>
      %dma_start3A = arith.constant 0 : i32
      %dma_start3A_43 = tpu.memref_slice %arg5[%select_n3A, %select_n3A_30, %dma_start3A] : memref<8x4x24576xf32, #tpu.memory_space<hbm>> -> memref<1x1x24576xf32, #tpu.memory_space<hbm>>
      %dma_start3A_44 = tpu.memref_squeeze %dma_start3A_43 : memref<1x1x24576xf32, #tpu.memory_space<hbm>> -> memref<24576xf32, #tpu.memory_space<hbm>>
      %dma_start3A_45 = arith.constant 0 : i32
      %dma_start3A_46 = tpu.memref_slice %arg5[%select_n3A, %select_n3A_30, %dma_start3A_45] : memref<8x4x24576xf32, #tpu.memory_space<hbm>> -> memref<1x1x24576xf32, #tpu.memory_space<hbm>>
      %dma_start3A_47 = tpu.memref_squeeze %dma_start3A_46 : memref<1x1x24576xf32, #tpu.memory_space<hbm>> -> memref<24576xf32, #tpu.memory_space<hbm>>
      tpu.enqueue_dma source(%arg11 : memref<24576xf32, #tpu.memory_space<vmem>>) target(%dma_start3A_47 : memref<24576xf32, #tpu.memory_space<hbm>>) target_semaphore(%run_scoped3A : memref<!tpu.dma_semaphore, #tpu.memory_space<semaphore_mem>>)
      %dma_wait3A = arith.constant 0 : i32
      %dma_wait3A_48 = tpu.memref_slice %arg5[%select_n3A, %select_n3A_30, %dma_wait3A] : memref<8x4x24576xf32, #tpu.memory_space<hbm>> -> memref<1x1x24576xf32, #tpu.memory_space<hbm>>
      %dma_wait3A_49 = tpu.memref_squeeze %dma_wait3A_48 : memref<1x1x24576xf32, #tpu.memory_space<hbm>> -> memref<24576xf32, #tpu.memory_space<hbm>>
      %dma_wait3A_50 = arith.constant 0 : i32
      %dma_wait3A_51 = tpu.memref_slice %arg5[%select_n3A, %select_n3A_30, %dma_wait3A_50] : memref<8x4x24576xf32, #tpu.memory_space<hbm>> -> memref<1x1x24576xf32, #tpu.memory_space<hbm>>
      %dma_wait3A_52 = tpu.memref_squeeze %dma_wait3A_51 : memref<1x1x24576xf32, #tpu.memory_space<hbm>> -> memref<24576xf32, #tpu.memory_space<hbm>>
      tpu.wait_dma2 semaphore(%run_scoped3A : memref<!tpu.dma_semaphore, #tpu.memory_space<semaphore_mem>>) src(%arg11 : memref<24576xf32, #tpu.memory_space<vmem>>) dst(%dma_wait3A_52 : memref<24576xf32, #tpu.memory_space<hbm>>)
      tpu.yield
    }) : () -> ()
    return
  }
}

module attributes {stable_mosaic.version = 14 : i64} {
  func.func @_fps_body(%arg0: memref<3x8x8192xf32, #tpu.memory_space<vmem>>, %arg1: memref<512x8x3xf32, #tpu.memory_space<vmem>>, %arg2: memref<8x8192xf32, #tpu.memory_space<vmem>>) attributes {dimension_semantics = [], scalar_prefetch = 0 : i64, scratch_operands = 1 : i64, tpu.core_type = #tpu.core_type<tc>} {
    %get3A = arith.constant 0 : index
    %get3A_0 = arith.constant 0 : index
    %get3A_1 = arith.constant 0 : index
    %get3A_2 = vector.load %arg0[%get3A, %get3A_0, %get3A_1] : memref<3x8x8192xf32, #tpu.memory_space<vmem>>, vector<1x8x8192xf32>
    %get3A_3 = vector.shape_cast %get3A_2 : vector<1x8x8192xf32> to vector<8x8192xf32>
    %get3A_4 = arith.constant 1 : index
    %get3A_5 = arith.constant 0 : index
    %get3A_6 = arith.constant 0 : index
    %get3A_7 = vector.load %arg0[%get3A_4, %get3A_5, %get3A_6] : memref<3x8x8192xf32, #tpu.memory_space<vmem>>, vector<1x8x8192xf32>
    %get3A_8 = vector.shape_cast %get3A_7 : vector<1x8x8192xf32> to vector<8x8192xf32>
    %get3A_9 = arith.constant 2 : index
    %get3A_10 = arith.constant 0 : index
    %get3A_11 = arith.constant 0 : index
    %get3A_12 = vector.load %arg0[%get3A_9, %get3A_10, %get3A_11] : memref<3x8x8192xf32, #tpu.memory_space<vmem>>, vector<1x8x8192xf32>
    %get3A_13 = vector.shape_cast %get3A_12 : vector<1x8x8192xf32> to vector<8x8192xf32>
    %iota3A = tpu.iota {dimensions = array<i32: 1>} : vector<8x8192xi32>
    %broadcast_in_dim3A = arith.constant 1.000000e+10 : f32
    %broadcast_in_dim3A_14 = vector.broadcast %broadcast_in_dim3A : f32 to vector<8x8192xf32>
    %swap3A = arith.constant 0 : index
    %swap3A_15 = arith.constant 0 : index
    %swap3A_16 = vector.load %arg2[%swap3A, %swap3A_15] : memref<8x8192xf32, #tpu.memory_space<vmem>>, vector<8x8192xf32>
    tpu.vector_store %arg2[%swap3A, %swap3A_15], %broadcast_in_dim3A_14 {strides = array<i32>} : memref<8x8192xf32, #tpu.memory_space<vmem>>, vector<8x8192xf32>,
    %broadcast_in_dim3A_17 = arith.constant 0 : i32
    %broadcast_in_dim3A_18 = vector.broadcast %broadcast_in_dim3A_17 : i32 to vector<8x1xi32>
    %scan3A = arith.constant 0 : i32
    %scan3A_19 = arith.constant 512 : i32
    %scan3A_20 = arith.addi %scan3A, %scan3A_19 : i32
    %scan3A_21 = arith.constant 1 : i32
    %scan3A_22 = scf.for %scan3A_24 = %scan3A to %scan3A_20 step %scan3A_21 iter_args(%scan3A_25 = %broadcast_in_dim3A_18) -> (vector<8x1xi32>)  : i32 {
      %eq3A = vector.broadcast %scan3A_25 : vector<8x1xi32> to vector<8x8192xi32>
      %eq3A_26 = arith.cmpi eq, %iota3A, %eq3A : vector<8x8192xi32>
      %convert_element_type3A = arith.extui %eq3A_26 : vector<8x8192xi1> to vector<8x8192xi32>
      %convert_element_type3A_27 = arith.sitofp %convert_element_type3A : vector<8x8192xi32> to vector<8x8192xf32>
      %mul3A = arith.mulf %get3A_3, %convert_element_type3A_27 : vector<8x8192xf32>
      %reduce_sum3A = arith.constant dense<0.000000e+00> : vector<8xf32>
      %reduce_sum3A_28 = vector.multi_reduction <add>, %mul3A, %reduce_sum3A [1] : vector<8x8192xf32> to vector<8xf32>
      %broadcast_in_dim3A_29 = vector.shape_cast %reduce_sum3A_28 : vector<8xf32> to vector<8x1xf32>
      %mul3A_30 = arith.mulf %get3A_8, %convert_element_type3A_27 : vector<8x8192xf32>
      %reduce_sum3A_31 = arith.constant dense<0.000000e+00> : vector<8xf32>
      %reduce_sum3A_32 = vector.multi_reduction <add>, %mul3A_30, %reduce_sum3A_31 [1] : vector<8x8192xf32> to vector<8xf32>
      %broadcast_in_dim3A_33 = vector.shape_cast %reduce_sum3A_32 : vector<8xf32> to vector<8x1xf32>
      %mul3A_34 = arith.mulf %get3A_13, %convert_element_type3A_27 : vector<8x8192xf32>
      %reduce_sum3A_35 = arith.constant dense<0.000000e+00> : vector<8xf32>
      %reduce_sum3A_36 = vector.multi_reduction <add>, %mul3A_34, %reduce_sum3A_35 [1] : vector<8x8192xf32> to vector<8xf32>
      %broadcast_in_dim3A_37 = vector.shape_cast %reduce_sum3A_36 : vector<8xf32> to vector<8x1xf32>
      %concatenate3A = tpu.concatenate %broadcast_in_dim3A_29, %broadcast_in_dim3A_33, %broadcast_in_dim3A_37 in 1 : vector<8x1xf32>, vector<8x1xf32>, vector<8x1xf32> -> vector<8x3xf32>
      %broadcast_in_dim3A_38 = vector.shape_cast %concatenate3A : vector<8x3xf32> to vector<1x8x3xf32>
      %swap3A_39 = arith.index_cast %scan3A_24 : i32 to index
      %swap3A_40 = arith.constant 0 : index
      %swap3A_41 = arith.constant 0 : index
      %swap3A_42 = vector.load %arg1[%swap3A_39, %swap3A_40, %swap3A_41] : memref<512x8x3xf32, #tpu.memory_space<vmem>>, vector<1x8x3xf32>
      tpu.vector_store %arg1[%swap3A_39, %swap3A_40, %swap3A_41], %broadcast_in_dim3A_38 {strides = array<i32>} : memref<512x8x3xf32, #tpu.memory_space<vmem>>, vector<1x8x3xf32>,
      %sub3A = vector.broadcast %broadcast_in_dim3A_29 : vector<8x1xf32> to vector<8x8192xf32>
      %sub3A_43 = arith.subf %get3A_3, %sub3A : vector<8x8192xf32>
      %integer_pow3A = arith.mulf %sub3A_43, %sub3A_43 : vector<8x8192xf32>
      %sub3A_44 = vector.broadcast %broadcast_in_dim3A_33 : vector<8x1xf32> to vector<8x8192xf32>
      %sub3A_45 = arith.subf %get3A_8, %sub3A_44 : vector<8x8192xf32>
      %integer_pow3A_46 = arith.mulf %sub3A_45, %sub3A_45 : vector<8x8192xf32>
      %add3A = arith.addf %integer_pow3A, %integer_pow3A_46 : vector<8x8192xf32>
      %sub3A_47 = vector.broadcast %broadcast_in_dim3A_37 : vector<8x1xf32> to vector<8x8192xf32>
      %sub3A_48 = arith.subf %get3A_13, %sub3A_47 : vector<8x8192xf32>
      %integer_pow3A_49 = arith.mulf %sub3A_48, %sub3A_48 : vector<8x8192xf32>
      %add3A_50 = arith.addf %add3A, %integer_pow3A_49 : vector<8x8192xf32>
      %get3A_51 = arith.constant 0 : index
      %get3A_52 = arith.constant 0 : index
      %get3A_53 = vector.load %arg2[%get3A_51, %get3A_52] : memref<8x8192xf32, #tpu.memory_space<vmem>>, vector<8x8192xf32>
      %min3A = arith.minimumf %get3A_53, %add3A_50 : vector<8x8192xf32>
      %swap3A_54 = arith.constant 0 : index
      %swap3A_55 = arith.constant 0 : index
      %swap3A_56 = vector.load %arg2[%swap3A_54, %swap3A_55] : memref<8x8192xf32, #tpu.memory_space<vmem>>, vector<8x8192xf32>
      tpu.vector_store %arg2[%swap3A_54, %swap3A_55], %min3A {strides = array<i32>} : memref<8x8192xf32, #tpu.memory_space<vmem>>, vector<8x8192xf32>,
      %reduce_max3A = arith.constant dense<0xFF800000> : vector<8xf32>
      %reduce_max3A_57 = vector.multi_reduction <maximumf>, %min3A, %reduce_max3A [1] : vector<8x8192xf32> to vector<8xf32>
      %broadcast_in_dim3A_58 = vector.shape_cast %reduce_max3A_57 : vector<8xf32> to vector<8x1xf32>
      %eq3A_59 = vector.broadcast %broadcast_in_dim3A_58 : vector<8x1xf32> to vector<8x8192xf32>
      %eq3A_60 = arith.cmpf oeq, %min3A, %eq3A_59 : vector<8x8192xf32>
      %jit3A = arith.constant 8192 : i32
      %broadcast_in_dim3A_61 = vector.broadcast %jit3A : i32 to vector<8x8192xi32>
      %select_n3A = arith.select %eq3A_60, %iota3A, %broadcast_in_dim3A_61 : vector<8x8192xi1>, vector<8x8192xi32>
      %reduce_min3A = arith.constant dense<2147483647> : vector<8xi32>
      %reduce_min3A_62 = vector.multi_reduction <minsi>, %select_n3A, %reduce_min3A [1] : vector<8x8192xi32> to vector<8xi32>
      %broadcast_in_dim3A_63 = vector.shape_cast %reduce_min3A_62 : vector<8xi32> to vector<8x1xi32>
      scf.yield %broadcast_in_dim3A_63 : vector<8x1xi32>
    }
    %scan3A_23 = arith.constant 512 : i32
    return
  }
}

module attributes {stable_mosaic.version = 14 : i64} {
  func.func @_mlp1_body(%arg0: i32, %arg1: memref<1x6x8192xf32, #tpu.memory_space<vmem>>, %arg2: memref<32x6xf32, #tpu.memory_space<vmem>>, %arg3: memref<32x1xf32, #tpu.memory_space<vmem>>, %arg4: memref<1x32x8192xf32, #tpu.memory_space<vmem>>, %arg5: memref<32x2xf32, #tpu.memory_space<vmem>>) attributes {dimension_semantics = [#tpu.dimension_semantics<arbitrary>], iteration_bounds = array<i64: 8>, scalar_prefetch = 0 : i64, scratch_operands = 0 : i64, tpu.core_type = #tpu.core_type<tc>, window_params = [{transform_indices = @transform_0, window_bounds = array<i64: 1, 6, 8192>}, {pipeline_mode = #tpu.pipeline_mode<synchronous>, transform_indices = @transform_1, window_bounds = array<i64: 32, 6>}, {pipeline_mode = #tpu.pipeline_mode<synchronous>, transform_indices = @transform_2, window_bounds = array<i64: 32, 1>}, {transform_indices = @transform_3, window_bounds = array<i64: 1, 32, 8192>}, {pipeline_mode = #tpu.pipeline_mode<synchronous>, transform_indices = @transform_4, window_bounds = array<i64: 32, 2>}]} {
    %get3A = arith.constant 0 : index
    %get3A_0 = arith.constant 0 : index
    %get3A_1 = arith.constant 0 : index
    %get3A_2 = vector.load %arg1[%get3A, %get3A_0, %get3A_1] : memref<1x6x8192xf32, #tpu.memory_space<vmem>>, vector<1x6x8192xf32>
    %get3A_3 = vector.shape_cast %get3A_2 : vector<1x6x8192xf32> to vector<6x8192xf32>
    %get3A_4 = arith.constant 0 : index
    %get3A_5 = arith.constant 0 : index
    %get3A_6 = vector.load %arg2[%get3A_4, %get3A_5] : memref<32x6xf32, #tpu.memory_space<vmem>>, vector<32x6xf32>
    %dot_general3A = arith.constant dense<0.000000e+00> : vector<32x8192xf32>
    %dot_general3A_7 = tpu.matmul %get3A_6, %get3A_3, %dot_general3A {dimension_numbers = #tpu.dot_dimension_numbers<[1], [0], [0], [1], [0, 0, 1, 1], [], []>, transpose_lhs_hint = false} : vector<32x6xf32>, vector<6x8192xf32>, vector<32x8192xf32> -> vector<32x8192xf32>
    %get3A_8 = arith.constant 0 : index
    %get3A_9 = arith.constant 0 : index
    %get3A_10 = vector.load %arg3[%get3A_8, %get3A_9] : memref<32x1xf32, #tpu.memory_space<vmem>>, vector<32x1xf32>
    %add3A = vector.broadcast %get3A_10 : vector<32x1xf32> to vector<32x8192xf32>
    %add3A_11 = arith.addf %dot_general3A_7, %add3A : vector<32x8192xf32>
    %swap3A = arith.constant 0 : index
    %swap3A_12 = arith.constant 0 : index
    %swap3A_13 = arith.constant 0 : index
    %swap3A_14 = vector.load %arg4[%swap3A, %swap3A_12, %swap3A_13] : memref<1x32x8192xf32, #tpu.memory_space<vmem>>, vector<1x32x8192xf32>
    %swap3A_15 = vector.shape_cast %swap3A_14 : vector<1x32x8192xf32> to vector<32x8192xf32>
    %swap3A_16 = vector.shape_cast %add3A_11 : vector<32x8192xf32> to vector<1x32x8192xf32>
    tpu.vector_store %arg4[%swap3A, %swap3A_12, %swap3A_13], %swap3A_16 {strides = array<i32>} : memref<1x32x8192xf32, #tpu.memory_space<vmem>>, vector<1x32x8192xf32>,
    %reduce_sum3A = arith.constant dense<0.000000e+00> : vector<32xf32>
    %reduce_sum3A_17 = vector.multi_reduction <add>, %add3A_11, %reduce_sum3A [1] : vector<32x8192xf32> to vector<32xf32>
    %broadcast_in_dim3A = vector.shape_cast %reduce_sum3A_17 : vector<32xf32> to vector<32x1xf32>
    %mul3A = arith.mulf %add3A_11, %add3A_11 : vector<32x8192xf32>
    %reduce_sum3A_18 = arith.constant dense<0.000000e+00> : vector<32xf32>
    %reduce_sum3A_19 = vector.multi_reduction <add>, %mul3A, %reduce_sum3A_18 [1] : vector<32x8192xf32> to vector<32xf32>
    %broadcast_in_dim3A_20 = vector.shape_cast %reduce_sum3A_19 : vector<32xf32> to vector<32x1xf32>
    %concatenate3A = tpu.concatenate %broadcast_in_dim3A, %broadcast_in_dim3A_20 in 1 : vector<32x1xf32>, vector<32x1xf32> -> vector<32x2xf32>
    %eq3A = arith.constant 0 : i32
    %eq3A_21 = arith.cmpi eq, %arg0, %eq3A : i32
    %convert_element_type3A = arith.extui %eq3A_21 : i1 to i32
    %cond3A = arith.constant 0 : i32
    %cond3A_22 = arith.cmpi ne, %convert_element_type3A, %cond3A : i32
    scf.if %cond3A_22 {
      %swap3A_27 = arith.constant 0 : index
      %swap3A_28 = arith.constant 0 : index
      %swap3A_29 = vector.load %arg5[%swap3A_27, %swap3A_28] : memref<32x2xf32, #tpu.memory_space<vmem>>, vector<32x2xf32>
      tpu.vector_store %arg5[%swap3A_27, %swap3A_28], %concatenate3A {strides = array<i32>} : memref<32x2xf32, #tpu.memory_space<vmem>>, vector<32x2xf32>,
    } else {
    }
    %ne3A = arith.constant 0 : i32
    %ne3A_23 = arith.cmpi ne, %arg0, %ne3A : i32
    %convert_element_type3A_24 = arith.extui %ne3A_23 : i1 to i32
    %cond3A_25 = arith.constant 0 : i32
    %cond3A_26 = arith.cmpi ne, %convert_element_type3A_24, %cond3A_25 : i32
    scf.if %cond3A_26 {
      %get3A_27 = arith.constant 0 : index
      %get3A_28 = arith.constant 0 : index
      %get3A_29 = vector.load %arg5[%get3A_27, %get3A_28] : memref<32x2xf32, #tpu.memory_space<vmem>>, vector<32x2xf32>
      %add3A_30 = arith.addf %get3A_29, %concatenate3A : vector<32x2xf32>
      %swap3A_31 = arith.constant 0 : index
      %swap3A_32 = arith.constant 0 : index
      %swap3A_33 = vector.load %arg5[%swap3A_31, %swap3A_32] : memref<32x2xf32, #tpu.memory_space<vmem>>, vector<32x2xf32>
      tpu.vector_store %arg5[%swap3A_31, %swap3A_32], %add3A_30 {strides = array<i32>} : memref<32x2xf32, #tpu.memory_space<vmem>>, vector<32x2xf32>,
    } else {
    }
    return
  }
  func.func @transform_0(%arg0: i32) -> (i32, i32, i32) {
    %c0_i32 = arith.constant 0 : i32
    %c0_i32_0 = arith.constant 0 : i32
    %c0_i32_1 = arith.constant 0 : i32
    return %arg0, %c0_i32, %c0_i32_0 : i32, i32, i32
  }
  func.func @transform_1(%arg0: i32) -> (i32, i32) {
    %c0_i32 = arith.constant 0 : i32
    %c0_i32_0 = arith.constant 0 : i32
    %c0_i32_1 = arith.constant 0 : i32
    return %c0_i32, %c0_i32_0 : i32, i32
  }
  func.func @transform_2(%arg0: i32) -> (i32, i32) {
    %c0_i32 = arith.constant 0 : i32
    %c0_i32_0 = arith.constant 0 : i32
    %c0_i32_1 = arith.constant 0 : i32
    return %c0_i32, %c0_i32_0 : i32, i32
  }
  func.func @transform_3(%arg0: i32) -> (i32, i32, i32) {
    %c0_i32 = arith.constant 0 : i32
    %c0_i32_0 = arith.constant 0 : i32
    %c0_i32_1 = arith.constant 0 : i32
    return %arg0, %c0_i32, %c0_i32_0 : i32, i32, i32
  }
  func.func @transform_4(%arg0: i32) -> (i32, i32) {
    %c0_i32 = arith.constant 0 : i32
    %c0_i32_0 = arith.constant 0 : i32
    %c0_i32_1 = arith.constant 0 : i32
    return %c0_i32, %c0_i32_0 : i32, i32
  }
}

module attributes {stable_mosaic.version = 14 : i64} {
  func.func @_mlp1_body(%arg0: i32, %arg1: memref<1x6x16384xf32, #tpu.memory_space<vmem>>, %arg2: memref<64x6xf32, #tpu.memory_space<vmem>>, %arg3: memref<64x1xf32, #tpu.memory_space<vmem>>, %arg4: memref<1x64x16384xf32, #tpu.memory_space<vmem>>, %arg5: memref<64x2xf32, #tpu.memory_space<vmem>>) attributes {dimension_semantics = [#tpu.dimension_semantics<arbitrary>], iteration_bounds = array<i64: 8>, scalar_prefetch = 0 : i64, scratch_operands = 0 : i64, tpu.core_type = #tpu.core_type<tc>, window_params = [{transform_indices = @transform_0, window_bounds = array<i64: 1, 6, 16384>}, {pipeline_mode = #tpu.pipeline_mode<synchronous>, transform_indices = @transform_1, window_bounds = array<i64: 64, 6>}, {pipeline_mode = #tpu.pipeline_mode<synchronous>, transform_indices = @transform_2, window_bounds = array<i64: 64, 1>}, {transform_indices = @transform_3, window_bounds = array<i64: 1, 64, 16384>}, {pipeline_mode = #tpu.pipeline_mode<synchronous>, transform_indices = @transform_4, window_bounds = array<i64: 64, 2>}]} {
    %get3A = arith.constant 0 : index
    %get3A_0 = arith.constant 0 : index
    %get3A_1 = arith.constant 0 : index
    %get3A_2 = vector.load %arg1[%get3A, %get3A_0, %get3A_1] : memref<1x6x16384xf32, #tpu.memory_space<vmem>>, vector<1x6x16384xf32>
    %get3A_3 = vector.shape_cast %get3A_2 : vector<1x6x16384xf32> to vector<6x16384xf32>
    %get3A_4 = arith.constant 0 : index
    %get3A_5 = arith.constant 0 : index
    %get3A_6 = vector.load %arg2[%get3A_4, %get3A_5] : memref<64x6xf32, #tpu.memory_space<vmem>>, vector<64x6xf32>
    %dot_general3A = arith.constant dense<0.000000e+00> : vector<64x16384xf32>
    %dot_general3A_7 = tpu.matmul %get3A_6, %get3A_3, %dot_general3A {dimension_numbers = #tpu.dot_dimension_numbers<[1], [0], [0], [1], [0, 0, 1, 1], [], []>, transpose_lhs_hint = false} : vector<64x6xf32>, vector<6x16384xf32>, vector<64x16384xf32> -> vector<64x16384xf32>
    %get3A_8 = arith.constant 0 : index
    %get3A_9 = arith.constant 0 : index
    %get3A_10 = vector.load %arg3[%get3A_8, %get3A_9] : memref<64x1xf32, #tpu.memory_space<vmem>>, vector<64x1xf32>
    %add3A = vector.broadcast %get3A_10 : vector<64x1xf32> to vector<64x16384xf32>
    %add3A_11 = arith.addf %dot_general3A_7, %add3A : vector<64x16384xf32>
    %swap3A = arith.constant 0 : index
    %swap3A_12 = arith.constant 0 : index
    %swap3A_13 = arith.constant 0 : index
    %swap3A_14 = vector.load %arg4[%swap3A, %swap3A_12, %swap3A_13] : memref<1x64x16384xf32, #tpu.memory_space<vmem>>, vector<1x64x16384xf32>
    %swap3A_15 = vector.shape_cast %swap3A_14 : vector<1x64x16384xf32> to vector<64x16384xf32>
    %swap3A_16 = vector.shape_cast %add3A_11 : vector<64x16384xf32> to vector<1x64x16384xf32>
    tpu.vector_store %arg4[%swap3A, %swap3A_12, %swap3A_13], %swap3A_16 {strides = array<i32>} : memref<1x64x16384xf32, #tpu.memory_space<vmem>>, vector<1x64x16384xf32>,
    %reduce_sum3A = arith.constant dense<0.000000e+00> : vector<64xf32>
    %reduce_sum3A_17 = vector.multi_reduction <add>, %add3A_11, %reduce_sum3A [1] : vector<64x16384xf32> to vector<64xf32>
    %broadcast_in_dim3A = vector.shape_cast %reduce_sum3A_17 : vector<64xf32> to vector<64x1xf32>
    %mul3A = arith.mulf %add3A_11, %add3A_11 : vector<64x16384xf32>
    %reduce_sum3A_18 = arith.constant dense<0.000000e+00> : vector<64xf32>
    %reduce_sum3A_19 = vector.multi_reduction <add>, %mul3A, %reduce_sum3A_18 [1] : vector<64x16384xf32> to vector<64xf32>
    %broadcast_in_dim3A_20 = vector.shape_cast %reduce_sum3A_19 : vector<64xf32> to vector<64x1xf32>
    %concatenate3A = tpu.concatenate %broadcast_in_dim3A, %broadcast_in_dim3A_20 in 1 : vector<64x1xf32>, vector<64x1xf32> -> vector<64x2xf32>
    %eq3A = arith.constant 0 : i32
    %eq3A_21 = arith.cmpi eq, %arg0, %eq3A : i32
    %convert_element_type3A = arith.extui %eq3A_21 : i1 to i32
    %cond3A = arith.constant 0 : i32
    %cond3A_22 = arith.cmpi ne, %convert_element_type3A, %cond3A : i32
    scf.if %cond3A_22 {
      %swap3A_27 = arith.constant 0 : index
      %swap3A_28 = arith.constant 0 : index
      %swap3A_29 = vector.load %arg5[%swap3A_27, %swap3A_28] : memref<64x2xf32, #tpu.memory_space<vmem>>, vector<64x2xf32>
      tpu.vector_store %arg5[%swap3A_27, %swap3A_28], %concatenate3A {strides = array<i32>} : memref<64x2xf32, #tpu.memory_space<vmem>>, vector<64x2xf32>,
    } else {
    }
    %ne3A = arith.constant 0 : i32
    %ne3A_23 = arith.cmpi ne, %arg0, %ne3A : i32
    %convert_element_type3A_24 = arith.extui %ne3A_23 : i1 to i32
    %cond3A_25 = arith.constant 0 : i32
    %cond3A_26 = arith.cmpi ne, %convert_element_type3A_24, %cond3A_25 : i32
    scf.if %cond3A_26 {
      %get3A_27 = arith.constant 0 : index
      %get3A_28 = arith.constant 0 : index
      %get3A_29 = vector.load %arg5[%get3A_27, %get3A_28] : memref<64x2xf32, #tpu.memory_space<vmem>>, vector<64x2xf32>
      %add3A_30 = arith.addf %get3A_29, %concatenate3A : vector<64x2xf32>
      %swap3A_31 = arith.constant 0 : index
      %swap3A_32 = arith.constant 0 : index
      %swap3A_33 = vector.load %arg5[%swap3A_31, %swap3A_32] : memref<64x2xf32, #tpu.memory_space<vmem>>, vector<64x2xf32>
      tpu.vector_store %arg5[%swap3A_31, %swap3A_32], %add3A_30 {strides = array<i32>} : memref<64x2xf32, #tpu.memory_space<vmem>>, vector<64x2xf32>,
    } else {
    }
    return
  }
  func.func @transform_0(%arg0: i32) -> (i32, i32, i32) {
    %c0_i32 = arith.constant 0 : i32
    %c0_i32_0 = arith.constant 0 : i32
    %c0_i32_1 = arith.constant 0 : i32
    return %arg0, %c0_i32, %c0_i32_0 : i32, i32, i32
  }
  func.func @transform_1(%arg0: i32) -> (i32, i32) {
    %c0_i32 = arith.constant 0 : i32
    %c0_i32_0 = arith.constant 0 : i32
    %c0_i32_1 = arith.constant 0 : i32
    return %c0_i32, %c0_i32_0 : i32, i32
  }
  func.func @transform_2(%arg0: i32) -> (i32, i32) {
    %c0_i32 = arith.constant 0 : i32
    %c0_i32_0 = arith.constant 0 : i32
    %c0_i32_1 = arith.constant 0 : i32
    return %c0_i32, %c0_i32_0 : i32, i32
  }
  func.func @transform_3(%arg0: i32) -> (i32, i32, i32) {
    %c0_i32 = arith.constant 0 : i32
    %c0_i32_0 = arith.constant 0 : i32
    %c0_i32_1 = arith.constant 0 : i32
    return %arg0, %c0_i32, %c0_i32_0 : i32, i32, i32
  }
  func.func @transform_4(%arg0: i32) -> (i32, i32) {
    %c0_i32 = arith.constant 0 : i32
    %c0_i32_0 = arith.constant 0 : i32
    %c0_i32_1 = arith.constant 0 : i32
    return %c0_i32, %c0_i32_0 : i32, i32
  }
}

module attributes {stable_mosaic.version = 14 : i64} {
  func.func @_mlp2_body(%arg0: i32, %arg1: memref<1x32x8192xf32, #tpu.memory_space<vmem>>, %arg2: memref<32x2xf32, #tpu.memory_space<vmem>>, %arg3: memref<32x1xf32, #tpu.memory_space<vmem>>, %arg4: memref<32x1xf32, #tpu.memory_space<vmem>>, %arg5: memref<64x32xf32, #tpu.memory_space<vmem>>, %arg6: memref<64x1xf32, #tpu.memory_space<vmem>>, %arg7: memref<1x64x8192xf32, #tpu.memory_space<vmem>>, %arg8: memref<64x2xf32, #tpu.memory_space<vmem>>) attributes {dimension_semantics = [#tpu.dimension_semantics<arbitrary>], iteration_bounds = array<i64: 8>, scalar_prefetch = 0 : i64, scratch_operands = 0 : i64, tpu.core_type = #tpu.core_type<tc>, window_params = [{transform_indices = @transform_0, window_bounds = array<i64: 1, 32, 8192>}, {pipeline_mode = #tpu.pipeline_mode<synchronous>, transform_indices = @transform_1, window_bounds = array<i64: 32, 2>}, {pipeline_mode = #tpu.pipeline_mode<synchronous>, transform_indices = @transform_2, window_bounds = array<i64: 32, 1>}, {pipeline_mode = #tpu.pipeline_mode<synchronous>, transform_indices = @transform_3, window_bounds = array<i64: 32, 1>}, {pipeline_mode = #tpu.pipeline_mode<synchronous>, transform_indices = @transform_4, window_bounds = array<i64: 64, 32>}, {pipeline_mode = #tpu.pipeline_mode<synchronous>, transform_indices = @transform_5, window_bounds = array<i64: 64, 1>}, {transform_indices = @transform_6, window_bounds = array<i64: 1, 64, 8192>}, {pipeline_mode = #tpu.pipeline_mode<synchronous>, transform_indices = @transform_7, window_bounds = array<i64: 64, 2>}]} {
    %get3A = arith.constant 0 : index
    %get3A_0 = arith.constant 0 : index
    %get3A_1 = arith.constant 0 : index
    %get3A_2 = vector.load %arg1[%get3A, %get3A_0, %get3A_1] : memref<1x32x8192xf32, #tpu.memory_space<vmem>>, vector<1x32x8192xf32>
    %get3A_3 = vector.shape_cast %get3A_2 : vector<1x32x8192xf32> to vector<32x8192xf32>
    %get3A_4 = arith.constant 0 : index
    %get3A_5 = arith.constant 0 : index
    %get3A_6 = vector.load %arg2[%get3A_4, %get3A_5] : memref<32x2xf32, #tpu.memory_space<vmem>>, vector<32x2xf32>
    %slice3A = vector.extract_strided_slice %get3A_6 {offsets = [0, 0], sizes = [32, 1], strides = [1, 1]} : vector<32x2xf32> to vector<32x1xf32>
    %div3A = arith.constant 6.553600e+04 : f32
    %div3A_7 = vector.broadcast %div3A : f32 to vector<32x1xf32>
    %div3A_8 = arith.divf %slice3A, %div3A_7 : vector<32x1xf32>
    %get3A_9 = arith.constant 0 : index
    %get3A_10 = arith.constant 0 : index
    %get3A_11 = vector.load %arg2[%get3A_9, %get3A_10] : memref<32x2xf32, #tpu.memory_space<vmem>>, vector<32x2xf32>
    %slice3A_12 = vector.extract_strided_slice %get3A_11 {offsets = [0, 1], sizes = [32, 1], strides = [1, 1]} : vector<32x2xf32> to vector<32x1xf32>
    %div3A_13 = arith.constant 6.553600e+04 : f32
    %div3A_14 = vector.broadcast %div3A_13 : f32 to vector<32x1xf32>
    %div3A_15 = arith.divf %slice3A_12, %div3A_14 : vector<32x1xf32>
    %mul3A = arith.mulf %div3A_8, %div3A_8 : vector<32x1xf32>
    %sub3A = arith.subf %div3A_15, %mul3A : vector<32x1xf32>
    %get3A_16 = arith.constant 0 : index
    %get3A_17 = arith.constant 0 : index
    %get3A_18 = vector.load %arg3[%get3A_16, %get3A_17] : memref<32x1xf32, #tpu.memory_space<vmem>>, vector<32x1xf32>
    %add3A = arith.constant 9.99999974E-6 : f32
    %add3A_19 = vector.broadcast %add3A : f32 to vector<32x1xf32>
    %add3A_20 = arith.addf %sub3A, %add3A_19 : vector<32x1xf32>
    %rsqrt3A = math.rsqrt %add3A_20 : vector<32x1xf32>
    %mul3A_21 = arith.mulf %get3A_18, %rsqrt3A : vector<32x1xf32>
    %sub3A_22 = vector.broadcast %div3A_8 : vector<32x1xf32> to vector<32x8192xf32>
    %sub3A_23 = arith.subf %get3A_3, %sub3A_22 : vector<32x8192xf32>
    %mul3A_24 = vector.broadcast %mul3A_21 : vector<32x1xf32> to vector<32x8192xf32>
    %mul3A_25 = arith.mulf %sub3A_23, %mul3A_24 : vector<32x8192xf32>
    %get3A_26 = arith.constant 0 : index
    %get3A_27 = arith.constant 0 : index
    %get3A_28 = vector.load %arg4[%get3A_26, %get3A_27] : memref<32x1xf32, #tpu.memory_space<vmem>>, vector<32x1xf32>
    %add3A_29 = vector.broadcast %get3A_28 : vector<32x1xf32> to vector<32x8192xf32>
    %add3A_30 = arith.addf %mul3A_25, %add3A_29 : vector<32x8192xf32>
    %max3A = arith.constant 0.000000e+00 : f32
    %max3A_31 = vector.broadcast %max3A : f32 to vector<32x8192xf32>
    %max3A_32 = arith.maximumf %add3A_30, %max3A_31 : vector<32x8192xf32>
    %get3A_33 = arith.constant 0 : index
    %get3A_34 = arith.constant 0 : index
    %get3A_35 = vector.load %arg5[%get3A_33, %get3A_34] : memref<64x32xf32, #tpu.memory_space<vmem>>, vector<64x32xf32>
    %dot_general3A = arith.constant dense<0.000000e+00> : vector<64x8192xf32>
    %dot_general3A_36 = tpu.matmul %get3A_35, %max3A_32, %dot_general3A {dimension_numbers = #tpu.dot_dimension_numbers<[1], [0], [0], [1], [0, 0, 1, 1], [], []>, transpose_lhs_hint = false} : vector<64x32xf32>, vector<32x8192xf32>, vector<64x8192xf32> -> vector<64x8192xf32>
    %get3A_37 = arith.constant 0 : index
    %get3A_38 = arith.constant 0 : index
    %get3A_39 = vector.load %arg6[%get3A_37, %get3A_38] : memref<64x1xf32, #tpu.memory_space<vmem>>, vector<64x1xf32>
    %add3A_40 = vector.broadcast %get3A_39 : vector<64x1xf32> to vector<64x8192xf32>
    %add3A_41 = arith.addf %dot_general3A_36, %add3A_40 : vector<64x8192xf32>
    %swap3A = arith.constant 0 : index
    %swap3A_42 = arith.constant 0 : index
    %swap3A_43 = arith.constant 0 : index
    %swap3A_44 = vector.load %arg7[%swap3A, %swap3A_42, %swap3A_43] : memref<1x64x8192xf32, #tpu.memory_space<vmem>>, vector<1x64x8192xf32>
    %swap3A_45 = vector.shape_cast %swap3A_44 : vector<1x64x8192xf32> to vector<64x8192xf32>
    %swap3A_46 = vector.shape_cast %add3A_41 : vector<64x8192xf32> to vector<1x64x8192xf32>
    tpu.vector_store %arg7[%swap3A, %swap3A_42, %swap3A_43], %swap3A_46 {strides = array<i32>} : memref<1x64x8192xf32, #tpu.memory_space<vmem>>, vector<1x64x8192xf32>,
    %reduce_sum3A = arith.constant dense<0.000000e+00> : vector<64xf32>
    %reduce_sum3A_47 = vector.multi_reduction <add>, %add3A_41, %reduce_sum3A [1] : vector<64x8192xf32> to vector<64xf32>
    %broadcast_in_dim3A = vector.shape_cast %reduce_sum3A_47 : vector<64xf32> to vector<64x1xf32>
    %mul3A_48 = arith.mulf %add3A_41, %add3A_41 : vector<64x8192xf32>
    %reduce_sum3A_49 = arith.constant dense<0.000000e+00> : vector<64xf32>
    %reduce_sum3A_50 = vector.multi_reduction <add>, %mul3A_48, %reduce_sum3A_49 [1] : vector<64x8192xf32> to vector<64xf32>
    %broadcast_in_dim3A_51 = vector.shape_cast %reduce_sum3A_50 : vector<64xf32> to vector<64x1xf32>
    %concatenate3A = tpu.concatenate %broadcast_in_dim3A, %broadcast_in_dim3A_51 in 1 : vector<64x1xf32>, vector<64x1xf32> -> vector<64x2xf32>
    %eq3A = arith.constant 0 : i32
    %eq3A_52 = arith.cmpi eq, %arg0, %eq3A : i32
    %convert_element_type3A = arith.extui %eq3A_52 : i1 to i32
    %cond3A = arith.constant 0 : i32
    %cond3A_53 = arith.cmpi ne, %convert_element_type3A, %cond3A : i32
    scf.if %cond3A_53 {
      %swap3A_58 = arith.constant 0 : index
      %swap3A_59 = arith.constant 0 : index
      %swap3A_60 = vector.load %arg8[%swap3A_58, %swap3A_59] : memref<64x2xf32, #tpu.memory_space<vmem>>, vector<64x2xf32>
      tpu.vector_store %arg8[%swap3A_58, %swap3A_59], %concatenate3A {strides = array<i32>} : memref<64x2xf32, #tpu.memory_space<vmem>>, vector<64x2xf32>,
    } else {
    }
    %ne3A = arith.constant 0 : i32
    %ne3A_54 = arith.cmpi ne, %arg0, %ne3A : i32
    %convert_element_type3A_55 = arith.extui %ne3A_54 : i1 to i32
    %cond3A_56 = arith.constant 0 : i32
    %cond3A_57 = arith.cmpi ne, %convert_element_type3A_55, %cond3A_56 : i32
    scf.if %cond3A_57 {
      %get3A_58 = arith.constant 0 : index
      %get3A_59 = arith.constant 0 : index
      %get3A_60 = vector.load %arg8[%get3A_58, %get3A_59] : memref<64x2xf32, #tpu.memory_space<vmem>>, vector<64x2xf32>
      %add3A_61 = arith.addf %get3A_60, %concatenate3A : vector<64x2xf32>
      %swap3A_62 = arith.constant 0 : index
      %swap3A_63 = arith.constant 0 : index
      %swap3A_64 = vector.load %arg8[%swap3A_62, %swap3A_63] : memref<64x2xf32, #tpu.memory_space<vmem>>, vector<64x2xf32>
      tpu.vector_store %arg8[%swap3A_62, %swap3A_63], %add3A_61 {strides = array<i32>} : memref<64x2xf32, #tpu.memory_space<vmem>>, vector<64x2xf32>,
    } else {
    }
    return
  }
  func.func @transform_0(%arg0: i32) -> (i32, i32, i32) {
    %c0_i32 = arith.constant 0 : i32
    %c0_i32_0 = arith.constant 0 : i32
    %c0_i32_1 = arith.constant 0 : i32
    return %arg0, %c0_i32, %c0_i32_0 : i32, i32, i32
  }
  func.func @transform_1(%arg0: i32) -> (i32, i32) {
    %c0_i32 = arith.constant 0 : i32
    %c0_i32_0 = arith.constant 0 : i32
    %c0_i32_1 = arith.constant 0 : i32
    return %c0_i32, %c0_i32_0 : i32, i32
  }
  func.func @transform_2(%arg0: i32) -> (i32, i32) {
    %c0_i32 = arith.constant 0 : i32
    %c0_i32_0 = arith.constant 0 : i32
    %c0_i32_1 = arith.constant 0 : i32
    return %c0_i32, %c0_i32_0 : i32, i32
  }
  func.func @transform_3(%arg0: i32) -> (i32, i32) {
    %c0_i32 = arith.constant 0 : i32
    %c0_i32_0 = arith.constant 0 : i32
    %c0_i32_1 = arith.constant 0 : i32
    return %c0_i32, %c0_i32_0 : i32, i32
  }
  func.func @transform_4(%arg0: i32) -> (i32, i32) {
    %c0_i32 = arith.constant 0 : i32
    %c0_i32_0 = arith.constant 0 : i32
    %c0_i32_1 = arith.constant 0 : i32
    return %c0_i32, %c0_i32_0 : i32, i32
  }
  func.func @transform_5(%arg0: i32) -> (i32, i32) {
    %c0_i32 = arith.constant 0 : i32
    %c0_i32_0 = arith.constant 0 : i32
    %c0_i32_1 = arith.constant 0 : i32
    return %c0_i32, %c0_i32_0 : i32, i32
  }
  func.func @transform_6(%arg0: i32) -> (i32, i32, i32) {
    %c0_i32 = arith.constant 0 : i32
    %c0_i32_0 = arith.constant 0 : i32
    %c0_i32_1 = arith.constant 0 : i32
    return %arg0, %c0_i32, %c0_i32_0 : i32, i32, i32
  }
  func.func @transform_7(%arg0: i32) -> (i32, i32) {
    %c0_i32 = arith.constant 0 : i32
    %c0_i32_0 = arith.constant 0 : i32
    %c0_i32_1 = arith.constant 0 : i32
    return %c0_i32, %c0_i32_0 : i32, i32
  }
}

module attributes {stable_mosaic.version = 14 : i64} {
  func.func @_mlp3_body(%arg0: i32, %arg1: memref<1x64x8192xf32, #tpu.memory_space<vmem>>, %arg2: memref<64x2xf32, #tpu.memory_space<vmem>>, %arg3: memref<64x1xf32, #tpu.memory_space<vmem>>, %arg4: memref<64x1xf32, #tpu.memory_space<vmem>>, %arg5: memref<1x64x512xf32, #tpu.memory_space<vmem>>) attributes {dimension_semantics = [#tpu.dimension_semantics<arbitrary>], iteration_bounds = array<i64: 8>, scalar_prefetch = 0 : i64, scratch_operands = 0 : i64, tpu.core_type = #tpu.core_type<tc>, window_params = [{transform_indices = @transform_0, window_bounds = array<i64: 1, 64, 8192>}, {pipeline_mode = #tpu.pipeline_mode<synchronous>, transform_indices = @transform_1, window_bounds = array<i64: 64, 2>}, {pipeline_mode = #tpu.pipeline_mode<synchronous>, transform_indices = @transform_2, window_bounds = array<i64: 64, 1>}, {pipeline_mode = #tpu.pipeline_mode<synchronous>, transform_indices = @transform_3, window_bounds = array<i64: 64, 1>}, {transform_indices = @transform_4, window_bounds = array<i64: 1, 64, 512>}]} {
    %get3A = arith.constant 0 : index
    %get3A_0 = arith.constant 0 : index
    %get3A_1 = arith.constant 0 : index
    %get3A_2 = vector.load %arg1[%get3A, %get3A_0, %get3A_1] : memref<1x64x8192xf32, #tpu.memory_space<vmem>>, vector<1x64x8192xf32>
    %get3A_3 = vector.shape_cast %get3A_2 : vector<1x64x8192xf32> to vector<64x8192xf32>
    %get3A_4 = arith.constant 0 : index
    %get3A_5 = arith.constant 0 : index
    %get3A_6 = vector.load %arg2[%get3A_4, %get3A_5] : memref<64x2xf32, #tpu.memory_space<vmem>>, vector<64x2xf32>
    %slice3A = vector.extract_strided_slice %get3A_6 {offsets = [0, 0], sizes = [64, 1], strides = [1, 1]} : vector<64x2xf32> to vector<64x1xf32>
    %div3A = arith.constant 6.553600e+04 : f32
    %div3A_7 = vector.broadcast %div3A : f32 to vector<64x1xf32>
    %div3A_8 = arith.divf %slice3A, %div3A_7 : vector<64x1xf32>
    %get3A_9 = arith.constant 0 : index
    %get3A_10 = arith.constant 0 : index
    %get3A_11 = vector.load %arg2[%get3A_9, %get3A_10] : memref<64x2xf32, #tpu.memory_space<vmem>>, vector<64x2xf32>
    %slice3A_12 = vector.extract_strided_slice %get3A_11 {offsets = [0, 1], sizes = [64, 1], strides = [1, 1]} : vector<64x2xf32> to vector<64x1xf32>
    %div3A_13 = arith.constant 6.553600e+04 : f32
    %div3A_14 = vector.broadcast %div3A_13 : f32 to vector<64x1xf32>
    %div3A_15 = arith.divf %slice3A_12, %div3A_14 : vector<64x1xf32>
    %mul3A = arith.mulf %div3A_8, %div3A_8 : vector<64x1xf32>
    %sub3A = arith.subf %div3A_15, %mul3A : vector<64x1xf32>
    %get3A_16 = arith.constant 0 : index
    %get3A_17 = arith.constant 0 : index
    %get3A_18 = vector.load %arg3[%get3A_16, %get3A_17] : memref<64x1xf32, #tpu.memory_space<vmem>>, vector<64x1xf32>
    %add3A = arith.constant 9.99999974E-6 : f32
    %add3A_19 = vector.broadcast %add3A : f32 to vector<64x1xf32>
    %add3A_20 = arith.addf %sub3A, %add3A_19 : vector<64x1xf32>
    %rsqrt3A = math.rsqrt %add3A_20 : vector<64x1xf32>
    %mul3A_21 = arith.mulf %get3A_18, %rsqrt3A : vector<64x1xf32>
    %sub3A_22 = vector.broadcast %div3A_8 : vector<64x1xf32> to vector<64x8192xf32>
    %sub3A_23 = arith.subf %get3A_3, %sub3A_22 : vector<64x8192xf32>
    %mul3A_24 = vector.broadcast %mul3A_21 : vector<64x1xf32> to vector<64x8192xf32>
    %mul3A_25 = arith.mulf %sub3A_23, %mul3A_24 : vector<64x8192xf32>
    %get3A_26 = arith.constant 0 : index
    %get3A_27 = arith.constant 0 : index
    %get3A_28 = vector.load %arg4[%get3A_26, %get3A_27] : memref<64x1xf32, #tpu.memory_space<vmem>>, vector<64x1xf32>
    %add3A_29 = vector.broadcast %get3A_28 : vector<64x1xf32> to vector<64x8192xf32>
    %add3A_30 = arith.addf %mul3A_25, %add3A_29 : vector<64x8192xf32>
    %max3A = arith.constant 0.000000e+00 : f32
    %max3A_31 = vector.broadcast %max3A : f32 to vector<64x8192xf32>
    %max3A_32 = arith.maximumf %add3A_30, %max3A_31 : vector<64x8192xf32>
    %slice3A_33 = vector.extract_strided_slice %max3A_32 {offsets = [0, 0], sizes = [64, 512], strides = [1, 1]} : vector<64x8192xf32> to vector<64x512xf32>
    %slice3A_34 = vector.extract_strided_slice %max3A_32 {offsets = [0, 512], sizes = [64, 512], strides = [1, 1]} : vector<64x8192xf32> to vector<64x512xf32>
    %max3A_35 = arith.maximumf %slice3A_33, %slice3A_34 : vector<64x512xf32>
    %slice3A_36 = vector.extract_strided_slice %max3A_32 {offsets = [0, 1024], sizes = [64, 512], strides = [1, 1]} : vector<64x8192xf32> to vector<64x512xf32>
    %max3A_37 = arith.maximumf %max3A_35, %slice3A_36 : vector<64x512xf32>
    %slice3A_38 = vector.extract_strided_slice %max3A_32 {offsets = [0, 1536], sizes = [64, 512], strides = [1, 1]} : vector<64x8192xf32> to vector<64x512xf32>
    %max3A_39 = arith.maximumf %max3A_37, %slice3A_38 : vector<64x512xf32>
    %slice3A_40 = vector.extract_strided_slice %max3A_32 {offsets = [0, 2048], sizes = [64, 512], strides = [1, 1]} : vector<64x8192xf32> to vector<64x512xf32>
    %max3A_41 = arith.maximumf %max3A_39, %slice3A_40 : vector<64x512xf32>
    %slice3A_42 = vector.extract_strided_slice %max3A_32 {offsets = [0, 2560], sizes = [64, 512], strides = [1, 1]} : vector<64x8192xf32> to vector<64x512xf32>
    %max3A_43 = arith.maximumf %max3A_41, %slice3A_42 : vector<64x512xf32>
    %slice3A_44 = vector.extract_strided_slice %max3A_32 {offsets = [0, 3072], sizes = [64, 512], strides = [1, 1]} : vector<64x8192xf32> to vector<64x512xf32>
    %max3A_45 = arith.maximumf %max3A_43, %slice3A_44 : vector<64x512xf32>
    %slice3A_46 = vector.extract_strided_slice %max3A_32 {offsets = [0, 3584], sizes = [64, 512], strides = [1, 1]} : vector<64x8192xf32> to vector<64x512xf32>
    %max3A_47 = arith.maximumf %max3A_45, %slice3A_46 : vector<64x512xf32>
    %slice3A_48 = vector.extract_strided_slice %max3A_32 {offsets = [0, 4096], sizes = [64, 512], strides = [1, 1]} : vector<64x8192xf32> to vector<64x512xf32>
    %max3A_49 = arith.maximumf %max3A_47, %slice3A_48 : vector<64x512xf32>
    %slice3A_50 = vector.extract_strided_slice %max3A_32 {offsets = [0, 4608], sizes = [64, 512], strides = [1, 1]} : vector<64x8192xf32> to vector<64x512xf32>
    %max3A_51 = arith.maximumf %max3A_49, %slice3A_50 : vector<64x512xf32>
    %slice3A_52 = vector.extract_strided_slice %max3A_32 {offsets = [0, 5120], sizes = [64, 512], strides = [1, 1]} : vector<64x8192xf32> to vector<64x512xf32>
    %max3A_53 = arith.maximumf %max3A_51, %slice3A_52 : vector<64x512xf32>
    %slice3A_54 = vector.extract_strided_slice %max3A_32 {offsets = [0, 5632], sizes = [64, 512], strides = [1, 1]} : vector<64x8192xf32> to vector<64x512xf32>
    %max3A_55 = arith.maximumf %max3A_53, %slice3A_54 : vector<64x512xf32>
    %slice3A_56 = vector.extract_strided_slice %max3A_32 {offsets = [0, 6144], sizes = [64, 512], strides = [1, 1]} : vector<64x8192xf32> to vector<64x512xf32>
    %max3A_57 = arith.maximumf %max3A_55, %slice3A_56 : vector<64x512xf32>
    %slice3A_58 = vector.extract_strided_slice %max3A_32 {offsets = [0, 6656], sizes = [64, 512], strides = [1, 1]} : vector<64x8192xf32> to vector<64x512xf32>
    %max3A_59 = arith.maximumf %max3A_57, %slice3A_58 : vector<64x512xf32>
    %slice3A_60 = vector.extract_strided_slice %max3A_32 {offsets = [0, 7168], sizes = [64, 512], strides = [1, 1]} : vector<64x8192xf32> to vector<64x512xf32>
    %max3A_61 = arith.maximumf %max3A_59, %slice3A_60 : vector<64x512xf32>
    %slice3A_62 = vector.extract_strided_slice %max3A_32 {offsets = [0, 7680], sizes = [64, 512], strides = [1, 1]} : vector<64x8192xf32> to vector<64x512xf32>
    %max3A_63 = arith.maximumf %max3A_61, %slice3A_62 : vector<64x512xf32>
    %swap3A = arith.constant 0 : index
    %swap3A_64 = arith.constant 0 : index
    %swap3A_65 = arith.constant 0 : index
    %swap3A_66 = vector.load %arg5[%swap3A, %swap3A_64, %swap3A_65] : memref<1x64x512xf32, #tpu.memory_space<vmem>>, vector<1x64x512xf32>
    %swap3A_67 = vector.shape_cast %swap3A_66 : vector<1x64x512xf32> to vector<64x512xf32>
    %swap3A_68 = vector.shape_cast %max3A_63 : vector<64x512xf32> to vector<1x64x512xf32>
    tpu.vector_store %arg5[%swap3A, %swap3A_64, %swap3A_65], %swap3A_68 {strides = array<i32>} : memref<1x64x512xf32, #tpu.memory_space<vmem>>, vector<1x64x512xf32>,
    return
  }
  func.func @transform_0(%arg0: i32) -> (i32, i32, i32) {
    %c0_i32 = arith.constant 0 : i32
    %c0_i32_0 = arith.constant 0 : i32
    %c0_i32_1 = arith.constant 0 : i32
    return %arg0, %c0_i32, %c0_i32_0 : i32, i32, i32
  }
  func.func @transform_1(%arg0: i32) -> (i32, i32) {
    %c0_i32 = arith.constant 0 : i32
    %c0_i32_0 = arith.constant 0 : i32
    %c0_i32_1 = arith.constant 0 : i32
    return %c0_i32, %c0_i32_0 : i32, i32
  }
  func.func @transform_2(%arg0: i32) -> (i32, i32) {
    %c0_i32 = arith.constant 0 : i32
    %c0_i32_0 = arith.constant 0 : i32
    %c0_i32_1 = arith.constant 0 : i32
    return %c0_i32, %c0_i32_0 : i32, i32
  }
  func.func @transform_3(%arg0: i32) -> (i32, i32) {
    %c0_i32 = arith.constant 0 : i32
    %c0_i32_0 = arith.constant 0 : i32
    %c0_i32_1 = arith.constant 0 : i32
    return %c0_i32, %c0_i32_0 : i32, i32
  }
  func.func @transform_4(%arg0: i32) -> (i32, i32, i32) {
    %c0_i32 = arith.constant 0 : i32
    %c0_i32_0 = arith.constant 0 : i32
    %c0_i32_1 = arith.constant 0 : i32
    return %arg0, %c0_i32, %c0_i32_0 : i32, i32, i32
  }
}

module attributes {stable_mosaic.version = 14 : i64} {
  func.func @_mlp2_body(%arg0: i32, %arg1: memref<1x64x16384xf32, #tpu.memory_space<vmem>>, %arg2: memref<64x2xf32, #tpu.memory_space<vmem>>, %arg3: memref<64x1xf32, #tpu.memory_space<vmem>>, %arg4: memref<64x1xf32, #tpu.memory_space<vmem>>, %arg5: memref<128x64xf32, #tpu.memory_space<vmem>>, %arg6: memref<128x1xf32, #tpu.memory_space<vmem>>, %arg7: memref<1x128x16384xf32, #tpu.memory_space<vmem>>, %arg8: memref<128x2xf32, #tpu.memory_space<vmem>>) attributes {dimension_semantics = [#tpu.dimension_semantics<arbitrary>], iteration_bounds = array<i64: 8>, scalar_prefetch = 0 : i64, scratch_operands = 0 : i64, tpu.core_type = #tpu.core_type<tc>, window_params = [{transform_indices = @transform_0, window_bounds = array<i64: 1, 64, 16384>}, {pipeline_mode = #tpu.pipeline_mode<synchronous>, transform_indices = @transform_1, window_bounds = array<i64: 64, 2>}, {pipeline_mode = #tpu.pipeline_mode<synchronous>, transform_indices = @transform_2, window_bounds = array<i64: 64, 1>}, {pipeline_mode = #tpu.pipeline_mode<synchronous>, transform_indices = @transform_3, window_bounds = array<i64: 64, 1>}, {pipeline_mode = #tpu.pipeline_mode<synchronous>, transform_indices = @transform_4, window_bounds = array<i64: 128, 64>}, {pipeline_mode = #tpu.pipeline_mode<synchronous>, transform_indices = @transform_5, window_bounds = array<i64: 128, 1>}, {transform_indices = @transform_6, window_bounds = array<i64: 1, 128, 16384>}, {pipeline_mode = #tpu.pipeline_mode<synchronous>, transform_indices = @transform_7, window_bounds = array<i64: 128, 2>}]} {
    %get3A = arith.constant 0 : index
    %get3A_0 = arith.constant 0 : index
    %get3A_1 = arith.constant 0 : index
    %get3A_2 = vector.load %arg1[%get3A, %get3A_0, %get3A_1] : memref<1x64x16384xf32, #tpu.memory_space<vmem>>, vector<1x64x16384xf32>
    %get3A_3 = vector.shape_cast %get3A_2 : vector<1x64x16384xf32> to vector<64x16384xf32>
    %get3A_4 = arith.constant 0 : index
    %get3A_5 = arith.constant 0 : index
    %get3A_6 = vector.load %arg2[%get3A_4, %get3A_5] : memref<64x2xf32, #tpu.memory_space<vmem>>, vector<64x2xf32>
    %slice3A = vector.extract_strided_slice %get3A_6 {offsets = [0, 0], sizes = [64, 1], strides = [1, 1]} : vector<64x2xf32> to vector<64x1xf32>
    %div3A = arith.constant 1.310720e+05 : f32
    %div3A_7 = vector.broadcast %div3A : f32 to vector<64x1xf32>
    %div3A_8 = arith.divf %slice3A, %div3A_7 : vector<64x1xf32>
    %get3A_9 = arith.constant 0 : index
    %get3A_10 = arith.constant 0 : index
    %get3A_11 = vector.load %arg2[%get3A_9, %get3A_10] : memref<64x2xf32, #tpu.memory_space<vmem>>, vector<64x2xf32>
    %slice3A_12 = vector.extract_strided_slice %get3A_11 {offsets = [0, 1], sizes = [64, 1], strides = [1, 1]} : vector<64x2xf32> to vector<64x1xf32>
    %div3A_13 = arith.constant 1.310720e+05 : f32
    %div3A_14 = vector.broadcast %div3A_13 : f32 to vector<64x1xf32>
    %div3A_15 = arith.divf %slice3A_12, %div3A_14 : vector<64x1xf32>
    %mul3A = arith.mulf %div3A_8, %div3A_8 : vector<64x1xf32>
    %sub3A = arith.subf %div3A_15, %mul3A : vector<64x1xf32>
    %get3A_16 = arith.constant 0 : index
    %get3A_17 = arith.constant 0 : index
    %get3A_18 = vector.load %arg3[%get3A_16, %get3A_17] : memref<64x1xf32, #tpu.memory_space<vmem>>, vector<64x1xf32>
    %add3A = arith.constant 9.99999974E-6 : f32
    %add3A_19 = vector.broadcast %add3A : f32 to vector<64x1xf32>
    %add3A_20 = arith.addf %sub3A, %add3A_19 : vector<64x1xf32>
    %rsqrt3A = math.rsqrt %add3A_20 : vector<64x1xf32>
    %mul3A_21 = arith.mulf %get3A_18, %rsqrt3A : vector<64x1xf32>
    %sub3A_22 = vector.broadcast %div3A_8 : vector<64x1xf32> to vector<64x16384xf32>
    %sub3A_23 = arith.subf %get3A_3, %sub3A_22 : vector<64x16384xf32>
    %mul3A_24 = vector.broadcast %mul3A_21 : vector<64x1xf32> to vector<64x16384xf32>
    %mul3A_25 = arith.mulf %sub3A_23, %mul3A_24 : vector<64x16384xf32>
    %get3A_26 = arith.constant 0 : index
    %get3A_27 = arith.constant 0 : index
    %get3A_28 = vector.load %arg4[%get3A_26, %get3A_27] : memref<64x1xf32, #tpu.memory_space<vmem>>, vector<64x1xf32>
    %add3A_29 = vector.broadcast %get3A_28 : vector<64x1xf32> to vector<64x16384xf32>
    %add3A_30 = arith.addf %mul3A_25, %add3A_29 : vector<64x16384xf32>
    %max3A = arith.constant 0.000000e+00 : f32
    %max3A_31 = vector.broadcast %max3A : f32 to vector<64x16384xf32>
    %max3A_32 = arith.maximumf %add3A_30, %max3A_31 : vector<64x16384xf32>
    %get3A_33 = arith.constant 0 : index
    %get3A_34 = arith.constant 0 : index
    %get3A_35 = vector.load %arg5[%get3A_33, %get3A_34] : memref<128x64xf32, #tpu.memory_space<vmem>>, vector<128x64xf32>
    %dot_general3A = arith.constant dense<0.000000e+00> : vector<128x16384xf32>
    %dot_general3A_36 = tpu.matmul %get3A_35, %max3A_32, %dot_general3A {dimension_numbers = #tpu.dot_dimension_numbers<[1], [0], [0], [1], [0, 0, 1, 1], [], []>, transpose_lhs_hint = false} : vector<128x64xf32>, vector<64x16384xf32>, vector<128x16384xf32> -> vector<128x16384xf32>
    %get3A_37 = arith.constant 0 : index
    %get3A_38 = arith.constant 0 : index
    %get3A_39 = vector.load %arg6[%get3A_37, %get3A_38] : memref<128x1xf32, #tpu.memory_space<vmem>>, vector<128x1xf32>
    %add3A_40 = vector.broadcast %get3A_39 : vector<128x1xf32> to vector<128x16384xf32>
    %add3A_41 = arith.addf %dot_general3A_36, %add3A_40 : vector<128x16384xf32>
    %swap3A = arith.constant 0 : index
    %swap3A_42 = arith.constant 0 : index
    %swap3A_43 = arith.constant 0 : index
    %swap3A_44 = vector.load %arg7[%swap3A, %swap3A_42, %swap3A_43] : memref<1x128x16384xf32, #tpu.memory_space<vmem>>, vector<1x128x16384xf32>
    %swap3A_45 = vector.shape_cast %swap3A_44 : vector<1x128x16384xf32> to vector<128x16384xf32>
    %swap3A_46 = vector.shape_cast %add3A_41 : vector<128x16384xf32> to vector<1x128x16384xf32>
    tpu.vector_store %arg7[%swap3A, %swap3A_42, %swap3A_43], %swap3A_46 {strides = array<i32>} : memref<1x128x16384xf32, #tpu.memory_space<vmem>>, vector<1x128x16384xf32>,
    %reduce_sum3A = arith.constant dense<0.000000e+00> : vector<128xf32>
    %reduce_sum3A_47 = vector.multi_reduction <add>, %add3A_41, %reduce_sum3A [1] : vector<128x16384xf32> to vector<128xf32>
    %broadcast_in_dim3A = vector.shape_cast %reduce_sum3A_47 : vector<128xf32> to vector<128x1xf32>
    %mul3A_48 = arith.mulf %add3A_41, %add3A_41 : vector<128x16384xf32>
    %reduce_sum3A_49 = arith.constant dense<0.000000e+00> : vector<128xf32>
    %reduce_sum3A_50 = vector.multi_reduction <add>, %mul3A_48, %reduce_sum3A_49 [1] : vector<128x16384xf32> to vector<128xf32>
    %broadcast_in_dim3A_51 = vector.shape_cast %reduce_sum3A_50 : vector<128xf32> to vector<128x1xf32>
    %concatenate3A = tpu.concatenate %broadcast_in_dim3A, %broadcast_in_dim3A_51 in 1 : vector<128x1xf32>, vector<128x1xf32> -> vector<128x2xf32>
    %eq3A = arith.constant 0 : i32
    %eq3A_52 = arith.cmpi eq, %arg0, %eq3A : i32
    %convert_element_type3A = arith.extui %eq3A_52 : i1 to i32
    %cond3A = arith.constant 0 : i32
    %cond3A_53 = arith.cmpi ne, %convert_element_type3A, %cond3A : i32
    scf.if %cond3A_53 {
      %swap3A_58 = arith.constant 0 : index
      %swap3A_59 = arith.constant 0 : index
      %swap3A_60 = vector.load %arg8[%swap3A_58, %swap3A_59] : memref<128x2xf32, #tpu.memory_space<vmem>>, vector<128x2xf32>
      tpu.vector_store %arg8[%swap3A_58, %swap3A_59], %concatenate3A {strides = array<i32>} : memref<128x2xf32, #tpu.memory_space<vmem>>, vector<128x2xf32>,
    } else {
    }
    %ne3A = arith.constant 0 : i32
    %ne3A_54 = arith.cmpi ne, %arg0, %ne3A : i32
    %convert_element_type3A_55 = arith.extui %ne3A_54 : i1 to i32
    %cond3A_56 = arith.constant 0 : i32
    %cond3A_57 = arith.cmpi ne, %convert_element_type3A_55, %cond3A_56 : i32
    scf.if %cond3A_57 {
      %get3A_58 = arith.constant 0 : index
      %get3A_59 = arith.constant 0 : index
      %get3A_60 = vector.load %arg8[%get3A_58, %get3A_59] : memref<128x2xf32, #tpu.memory_space<vmem>>, vector<128x2xf32>
      %add3A_61 = arith.addf %get3A_60, %concatenate3A : vector<128x2xf32>
      %swap3A_62 = arith.constant 0 : index
      %swap3A_63 = arith.constant 0 : index
      %swap3A_64 = vector.load %arg8[%swap3A_62, %swap3A_63] : memref<128x2xf32, #tpu.memory_space<vmem>>, vector<128x2xf32>
      tpu.vector_store %arg8[%swap3A_62, %swap3A_63], %add3A_61 {strides = array<i32>} : memref<128x2xf32, #tpu.memory_space<vmem>>, vector<128x2xf32>,
    } else {
    }
    return
  }
  func.func @transform_0(%arg0: i32) -> (i32, i32, i32) {
    %c0_i32 = arith.constant 0 : i32
    %c0_i32_0 = arith.constant 0 : i32
    %c0_i32_1 = arith.constant 0 : i32
    return %arg0, %c0_i32, %c0_i32_0 : i32, i32, i32
  }
  func.func @transform_1(%arg0: i32) -> (i32, i32) {
    %c0_i32 = arith.constant 0 : i32
    %c0_i32_0 = arith.constant 0 : i32
    %c0_i32_1 = arith.constant 0 : i32
    return %c0_i32, %c0_i32_0 : i32, i32
  }
  func.func @transform_2(%arg0: i32) -> (i32, i32) {
    %c0_i32 = arith.constant 0 : i32
    %c0_i32_0 = arith.constant 0 : i32
    %c0_i32_1 = arith.constant 0 : i32
    return %c0_i32, %c0_i32_0 : i32, i32
  }
  func.func @transform_3(%arg0: i32) -> (i32, i32) {
    %c0_i32 = arith.constant 0 : i32
    %c0_i32_0 = arith.constant 0 : i32
    %c0_i32_1 = arith.constant 0 : i32
    return %c0_i32, %c0_i32_0 : i32, i32
  }
  func.func @transform_4(%arg0: i32) -> (i32, i32) {
    %c0_i32 = arith.constant 0 : i32
    %c0_i32_0 = arith.constant 0 : i32
    %c0_i32_1 = arith.constant 0 : i32
    return %c0_i32, %c0_i32_0 : i32, i32
  }
  func.func @transform_5(%arg0: i32) -> (i32, i32) {
    %c0_i32 = arith.constant 0 : i32
    %c0_i32_0 = arith.constant 0 : i32
    %c0_i32_1 = arith.constant 0 : i32
    return %c0_i32, %c0_i32_0 : i32, i32
  }
  func.func @transform_6(%arg0: i32) -> (i32, i32, i32) {
    %c0_i32 = arith.constant 0 : i32
    %c0_i32_0 = arith.constant 0 : i32
    %c0_i32_1 = arith.constant 0 : i32
    return %arg0, %c0_i32, %c0_i32_0 : i32, i32, i32
  }
  func.func @transform_7(%arg0: i32) -> (i32, i32) {
    %c0_i32 = arith.constant 0 : i32
    %c0_i32_0 = arith.constant 0 : i32
    %c0_i32_1 = arith.constant 0 : i32
    return %c0_i32, %c0_i32_0 : i32, i32
  }
}

module attributes {stable_mosaic.version = 14 : i64} {
  func.func @_mlp3_body(%arg0: i32, %arg1: memref<1x128x16384xf32, #tpu.memory_space<vmem>>, %arg2: memref<128x2xf32, #tpu.memory_space<vmem>>, %arg3: memref<128x1xf32, #tpu.memory_space<vmem>>, %arg4: memref<128x1xf32, #tpu.memory_space<vmem>>, %arg5: memref<1x128x512xf32, #tpu.memory_space<vmem>>) attributes {dimension_semantics = [#tpu.dimension_semantics<arbitrary>], iteration_bounds = array<i64: 8>, scalar_prefetch = 0 : i64, scratch_operands = 0 : i64, tpu.core_type = #tpu.core_type<tc>, window_params = [{transform_indices = @transform_0, window_bounds = array<i64: 1, 128, 16384>}, {pipeline_mode = #tpu.pipeline_mode<synchronous>, transform_indices = @transform_1, window_bounds = array<i64: 128, 2>}, {pipeline_mode = #tpu.pipeline_mode<synchronous>, transform_indices = @transform_2, window_bounds = array<i64: 128, 1>}, {pipeline_mode = #tpu.pipeline_mode<synchronous>, transform_indices = @transform_3, window_bounds = array<i64: 128, 1>}, {transform_indices = @transform_4, window_bounds = array<i64: 1, 128, 512>}]} {
    %get3A = arith.constant 0 : index
    %get3A_0 = arith.constant 0 : index
    %get3A_1 = arith.constant 0 : index
    %get3A_2 = vector.load %arg1[%get3A, %get3A_0, %get3A_1] : memref<1x128x16384xf32, #tpu.memory_space<vmem>>, vector<1x128x16384xf32>
    %get3A_3 = vector.shape_cast %get3A_2 : vector<1x128x16384xf32> to vector<128x16384xf32>
    %get3A_4 = arith.constant 0 : index
    %get3A_5 = arith.constant 0 : index
    %get3A_6 = vector.load %arg2[%get3A_4, %get3A_5] : memref<128x2xf32, #tpu.memory_space<vmem>>, vector<128x2xf32>
    %slice3A = vector.extract_strided_slice %get3A_6 {offsets = [0, 0], sizes = [128, 1], strides = [1, 1]} : vector<128x2xf32> to vector<128x1xf32>
    %div3A = arith.constant 1.310720e+05 : f32
    %div3A_7 = vector.broadcast %div3A : f32 to vector<128x1xf32>
    %div3A_8 = arith.divf %slice3A, %div3A_7 : vector<128x1xf32>
    %get3A_9 = arith.constant 0 : index
    %get3A_10 = arith.constant 0 : index
    %get3A_11 = vector.load %arg2[%get3A_9, %get3A_10] : memref<128x2xf32, #tpu.memory_space<vmem>>, vector<128x2xf32>
    %slice3A_12 = vector.extract_strided_slice %get3A_11 {offsets = [0, 1], sizes = [128, 1], strides = [1, 1]} : vector<128x2xf32> to vector<128x1xf32>
    %div3A_13 = arith.constant 1.310720e+05 : f32
    %div3A_14 = vector.broadcast %div3A_13 : f32 to vector<128x1xf32>
    %div3A_15 = arith.divf %slice3A_12, %div3A_14 : vector<128x1xf32>
    %mul3A = arith.mulf %div3A_8, %div3A_8 : vector<128x1xf32>
    %sub3A = arith.subf %div3A_15, %mul3A : vector<128x1xf32>
    %get3A_16 = arith.constant 0 : index
    %get3A_17 = arith.constant 0 : index
    %get3A_18 = vector.load %arg3[%get3A_16, %get3A_17] : memref<128x1xf32, #tpu.memory_space<vmem>>, vector<128x1xf32>
    %add3A = arith.constant 9.99999974E-6 : f32
    %add3A_19 = vector.broadcast %add3A : f32 to vector<128x1xf32>
    %add3A_20 = arith.addf %sub3A, %add3A_19 : vector<128x1xf32>
    %rsqrt3A = math.rsqrt %add3A_20 : vector<128x1xf32>
    %mul3A_21 = arith.mulf %get3A_18, %rsqrt3A : vector<128x1xf32>
    %sub3A_22 = vector.broadcast %div3A_8 : vector<128x1xf32> to vector<128x16384xf32>
    %sub3A_23 = arith.subf %get3A_3, %sub3A_22 : vector<128x16384xf32>
    %mul3A_24 = vector.broadcast %mul3A_21 : vector<128x1xf32> to vector<128x16384xf32>
    %mul3A_25 = arith.mulf %sub3A_23, %mul3A_24 : vector<128x16384xf32>
    %get3A_26 = arith.constant 0 : index
    %get3A_27 = arith.constant 0 : index
    %get3A_28 = vector.load %arg4[%get3A_26, %get3A_27] : memref<128x1xf32, #tpu.memory_space<vmem>>, vector<128x1xf32>
    %add3A_29 = vector.broadcast %get3A_28 : vector<128x1xf32> to vector<128x16384xf32>
    %add3A_30 = arith.addf %mul3A_25, %add3A_29 : vector<128x16384xf32>
    %max3A = arith.constant 0.000000e+00 : f32
    %max3A_31 = vector.broadcast %max3A : f32 to vector<128x16384xf32>
    %max3A_32 = arith.maximumf %add3A_30, %max3A_31 : vector<128x16384xf32>
    %slice3A_33 = vector.extract_strided_slice %max3A_32 {offsets = [0, 0], sizes = [128, 512], strides = [1, 1]} : vector<128x16384xf32> to vector<128x512xf32>
    %slice3A_34 = vector.extract_strided_slice %max3A_32 {offsets = [0, 512], sizes = [128, 512], strides = [1, 1]} : vector<128x16384xf32> to vector<128x512xf32>
    %max3A_35 = arith.maximumf %slice3A_33, %slice3A_34 : vector<128x512xf32>
    %slice3A_36 = vector.extract_strided_slice %max3A_32 {offsets = [0, 1024], sizes = [128, 512], strides = [1, 1]} : vector<128x16384xf32> to vector<128x512xf32>
    %max3A_37 = arith.maximumf %max3A_35, %slice3A_36 : vector<128x512xf32>
    %slice3A_38 = vector.extract_strided_slice %max3A_32 {offsets = [0, 1536], sizes = [128, 512], strides = [1, 1]} : vector<128x16384xf32> to vector<128x512xf32>
    %max3A_39 = arith.maximumf %max3A_37, %slice3A_38 : vector<128x512xf32>
    %slice3A_40 = vector.extract_strided_slice %max3A_32 {offsets = [0, 2048], sizes = [128, 512], strides = [1, 1]} : vector<128x16384xf32> to vector<128x512xf32>
    %max3A_41 = arith.maximumf %max3A_39, %slice3A_40 : vector<128x512xf32>
    %slice3A_42 = vector.extract_strided_slice %max3A_32 {offsets = [0, 2560], sizes = [128, 512], strides = [1, 1]} : vector<128x16384xf32> to vector<128x512xf32>
    %max3A_43 = arith.maximumf %max3A_41, %slice3A_42 : vector<128x512xf32>
    %slice3A_44 = vector.extract_strided_slice %max3A_32 {offsets = [0, 3072], sizes = [128, 512], strides = [1, 1]} : vector<128x16384xf32> to vector<128x512xf32>
    %max3A_45 = arith.maximumf %max3A_43, %slice3A_44 : vector<128x512xf32>
    %slice3A_46 = vector.extract_strided_slice %max3A_32 {offsets = [0, 3584], sizes = [128, 512], strides = [1, 1]} : vector<128x16384xf32> to vector<128x512xf32>
    %max3A_47 = arith.maximumf %max3A_45, %slice3A_46 : vector<128x512xf32>
    %slice3A_48 = vector.extract_strided_slice %max3A_32 {offsets = [0, 4096], sizes = [128, 512], strides = [1, 1]} : vector<128x16384xf32> to vector<128x512xf32>
    %max3A_49 = arith.maximumf %max3A_47, %slice3A_48 : vector<128x512xf32>
    %slice3A_50 = vector.extract_strided_slice %max3A_32 {offsets = [0, 4608], sizes = [128, 512], strides = [1, 1]} : vector<128x16384xf32> to vector<128x512xf32>
    %max3A_51 = arith.maximumf %max3A_49, %slice3A_50 : vector<128x512xf32>
    %slice3A_52 = vector.extract_strided_slice %max3A_32 {offsets = [0, 5120], sizes = [128, 512], strides = [1, 1]} : vector<128x16384xf32> to vector<128x512xf32>
    %max3A_53 = arith.maximumf %max3A_51, %slice3A_52 : vector<128x512xf32>
    %slice3A_54 = vector.extract_strided_slice %max3A_32 {offsets = [0, 5632], sizes = [128, 512], strides = [1, 1]} : vector<128x16384xf32> to vector<128x512xf32>
    %max3A_55 = arith.maximumf %max3A_53, %slice3A_54 : vector<128x512xf32>
    %slice3A_56 = vector.extract_strided_slice %max3A_32 {offsets = [0, 6144], sizes = [128, 512], strides = [1, 1]} : vector<128x16384xf32> to vector<128x512xf32>
    %max3A_57 = arith.maximumf %max3A_55, %slice3A_56 : vector<128x512xf32>
    %slice3A_58 = vector.extract_strided_slice %max3A_32 {offsets = [0, 6656], sizes = [128, 512], strides = [1, 1]} : vector<128x16384xf32> to vector<128x512xf32>
    %max3A_59 = arith.maximumf %max3A_57, %slice3A_58 : vector<128x512xf32>
    %slice3A_60 = vector.extract_strided_slice %max3A_32 {offsets = [0, 7168], sizes = [128, 512], strides = [1, 1]} : vector<128x16384xf32> to vector<128x512xf32>
    %max3A_61 = arith.maximumf %max3A_59, %slice3A_60 : vector<128x512xf32>
    %slice3A_62 = vector.extract_strided_slice %max3A_32 {offsets = [0, 7680], sizes = [128, 512], strides = [1, 1]} : vector<128x16384xf32> to vector<128x512xf32>
    %max3A_63 = arith.maximumf %max3A_61, %slice3A_62 : vector<128x512xf32>
    %slice3A_64 = vector.extract_strided_slice %max3A_32 {offsets = [0, 8192], sizes = [128, 512], strides = [1, 1]} : vector<128x16384xf32> to vector<128x512xf32>
    %max3A_65 = arith.maximumf %max3A_63, %slice3A_64 : vector<128x512xf32>
    %slice3A_66 = vector.extract_strided_slice %max3A_32 {offsets = [0, 8704], sizes = [128, 512], strides = [1, 1]} : vector<128x16384xf32> to vector<128x512xf32>
    %max3A_67 = arith.maximumf %max3A_65, %slice3A_66 : vector<128x512xf32>
    %slice3A_68 = vector.extract_strided_slice %max3A_32 {offsets = [0, 9216], sizes = [128, 512], strides = [1, 1]} : vector<128x16384xf32> to vector<128x512xf32>
    %max3A_69 = arith.maximumf %max3A_67, %slice3A_68 : vector<128x512xf32>
    %slice3A_70 = vector.extract_strided_slice %max3A_32 {offsets = [0, 9728], sizes = [128, 512], strides = [1, 1]} : vector<128x16384xf32> to vector<128x512xf32>
    %max3A_71 = arith.maximumf %max3A_69, %slice3A_70 : vector<128x512xf32>
    %slice3A_72 = vector.extract_strided_slice %max3A_32 {offsets = [0, 10240], sizes = [128, 512], strides = [1, 1]} : vector<128x16384xf32> to vector<128x512xf32>
    %max3A_73 = arith.maximumf %max3A_71, %slice3A_72 : vector<128x512xf32>
    %slice3A_74 = vector.extract_strided_slice %max3A_32 {offsets = [0, 10752], sizes = [128, 512], strides = [1, 1]} : vector<128x16384xf32> to vector<128x512xf32>
    %max3A_75 = arith.maximumf %max3A_73, %slice3A_74 : vector<128x512xf32>
    %slice3A_76 = vector.extract_strided_slice %max3A_32 {offsets = [0, 11264], sizes = [128, 512], strides = [1, 1]} : vector<128x16384xf32> to vector<128x512xf32>
    %max3A_77 = arith.maximumf %max3A_75, %slice3A_76 : vector<128x512xf32>
    %slice3A_78 = vector.extract_strided_slice %max3A_32 {offsets = [0, 11776], sizes = [128, 512], strides = [1, 1]} : vector<128x16384xf32> to vector<128x512xf32>
    %max3A_79 = arith.maximumf %max3A_77, %slice3A_78 : vector<128x512xf32>
    %slice3A_80 = vector.extract_strided_slice %max3A_32 {offsets = [0, 12288], sizes = [128, 512], strides = [1, 1]} : vector<128x16384xf32> to vector<128x512xf32>
    %max3A_81 = arith.maximumf %max3A_79, %slice3A_80 : vector<128x512xf32>
    %slice3A_82 = vector.extract_strided_slice %max3A_32 {offsets = [0, 12800], sizes = [128, 512], strides = [1, 1]} : vector<128x16384xf32> to vector<128x512xf32>
    %max3A_83 = arith.maximumf %max3A_81, %slice3A_82 : vector<128x512xf32>
    %slice3A_84 = vector.extract_strided_slice %max3A_32 {offsets = [0, 13312], sizes = [128, 512], strides = [1, 1]} : vector<128x16384xf32> to vector<128x512xf32>
    %max3A_85 = arith.maximumf %max3A_83, %slice3A_84 : vector<128x512xf32>
    %slice3A_86 = vector.extract_strided_slice %max3A_32 {offsets = [0, 13824], sizes = [128, 512], strides = [1, 1]} : vector<128x16384xf32> to vector<128x512xf32>
    %max3A_87 = arith.maximumf %max3A_85, %slice3A_86 : vector<128x512xf32>
    %slice3A_88 = vector.extract_strided_slice %max3A_32 {offsets = [0, 14336], sizes = [128, 512], strides = [1, 1]} : vector<128x16384xf32> to vector<128x512xf32>
    %max3A_89 = arith.maximumf %max3A_87, %slice3A_88 : vector<128x512xf32>
    %slice3A_90 = vector.extract_strided_slice %max3A_32 {offsets = [0, 14848], sizes = [128, 512], strides = [1, 1]} : vector<128x16384xf32> to vector<128x512xf32>
    %max3A_91 = arith.maximumf %max3A_89, %slice3A_90 : vector<128x512xf32>
    %slice3A_92 = vector.extract_strided_slice %max3A_32 {offsets = [0, 15360], sizes = [128, 512], strides = [1, 1]} : vector<128x16384xf32> to vector<128x512xf32>
    %max3A_93 = arith.maximumf %max3A_91, %slice3A_92 : vector<128x512xf32>
    %slice3A_94 = vector.extract_strided_slice %max3A_32 {offsets = [0, 15872], sizes = [128, 512], strides = [1, 1]} : vector<128x16384xf32> to vector<128x512xf32>
    %max3A_95 = arith.maximumf %max3A_93, %slice3A_94 : vector<128x512xf32>
    %swap3A = arith.constant 0 : index
    %swap3A_96 = arith.constant 0 : index
    %swap3A_97 = arith.constant 0 : index
    %swap3A_98 = vector.load %arg5[%swap3A, %swap3A_96, %swap3A_97] : memref<1x128x512xf32, #tpu.memory_space<vmem>>, vector<1x128x512xf32>
    %swap3A_99 = vector.shape_cast %swap3A_98 : vector<1x128x512xf32> to vector<128x512xf32>
    %swap3A_100 = vector.shape_cast %max3A_95 : vector<128x512xf32> to vector<1x128x512xf32>
    tpu.vector_store %arg5[%swap3A, %swap3A_96, %swap3A_97], %swap3A_100 {strides = array<i32>} : memref<1x128x512xf32, #tpu.memory_space<vmem>>, vector<1x128x512xf32>,
    return
  }
  func.func @transform_0(%arg0: i32) -> (i32, i32, i32) {
    %c0_i32 = arith.constant 0 : i32
    %c0_i32_0 = arith.constant 0 : i32
    %c0_i32_1 = arith.constant 0 : i32
    return %arg0, %c0_i32, %c0_i32_0 : i32, i32, i32
  }
  func.func @transform_1(%arg0: i32) -> (i32, i32) {
    %c0_i32 = arith.constant 0 : i32
    %c0_i32_0 = arith.constant 0 : i32
    %c0_i32_1 = arith.constant 0 : i32
    return %c0_i32, %c0_i32_0 : i32, i32
  }
  func.func @transform_2(%arg0: i32) -> (i32, i32) {
    %c0_i32 = arith.constant 0 : i32
    %c0_i32_0 = arith.constant 0 : i32
    %c0_i32_1 = arith.constant 0 : i32
    return %c0_i32, %c0_i32_0 : i32, i32
  }
  func.func @transform_3(%arg0: i32) -> (i32, i32) {
    %c0_i32 = arith.constant 0 : i32
    %c0_i32_0 = arith.constant 0 : i32
    %c0_i32_1 = arith.constant 0 : i32
    return %c0_i32, %c0_i32_0 : i32, i32
  }
  func.func @transform_4(%arg0: i32) -> (i32, i32, i32) {
    %c0_i32 = arith.constant 0 : i32
    %c0_i32_0 = arith.constant 0 : i32
    %c0_i32_1 = arith.constant 0 : i32
    return %arg0, %c0_i32, %c0_i32_0 : i32, i32, i32
  }
}

</mosaic_0001>

<sc_bundles>
// kernel: kernel.10.cloned.1.call-start
scs
__scs_entry_jumppad:
0x0: {  	(pc) =	sbr.rel $0x88, $3  }
0x1: {  	(tag) =	ssettag $0x0;
	lr =	simm.s32 $0x1  }
0x2: {  	[smem:$0x3F8F] =	sst lr;
	_ =	strace $0xD0000000  }
0x3: {  	_ = 	snop  }
0x4: {  	_ = 	snop  }
0x5: {  	_ = 	snop  }
0x6: {  	_ = 	snop  }
0x7: {  	_ = 	snop  }
__scs_overlays_trampoline_lowered:
0x8: {  	[smem:$0x3F9E] =	sst s0  }
0x9: {  	[smem:$0x3F9F] =	sst s1  }
0xa: {  	[smem:$0x3FA0] =	sst s2  }
0xb: {  	[smem:$0x3FA1] =	sst s3  }
0xc: {  	[smem:$0x3FA2] =	sst s4  }
0xd: {  	[smem:$0x3FA3] =	sst s5  }
0xe: {  	[smem:$0x3FA4] =	sst s6  }
0xf: {  	[smem:$0x3FA5] =	sst s7  }
0x10: {  	[smem:$0x3FA6] =	sst s8  }
0x11: {  	[smem:$0x3FA7] =	sst s9;
	s0 =	simm.s32 @!p0 $0x0  }
0x12: {  	s1 =	sld [smem:$0x3F8D];
	s0 =	simm.s32 @p0 $0x1  }
0x13: {  	[smem:$0x3FA8] =	sst s0;
	s0 =	simm.s32 @!p1 $0x0  }
0x14: {  	s2 =	sld [smem:$0x3F8C];
	s0 =	simm.s32 @p1 $0x1  }
0x15: {  	[smem:$0x3FA9] =	sst s0;
	s0 =	simm.s32 @!p2 $0x0  }
0x16: {  	s3 =	sld [smem:$0x3FDB];
	s0 =	simm.s32 @p2 $0x1  }
0x17: {  	s4 =	simm.s32 $0x1BF5;
	[smem:$0x3FAB] =	sst s0  }
0x18: {  	s0 =	sld [smem:$0x3F8E];
	_ =	swait.ge [sflag:s4], $0x0  }
0x19: {  	s7 =	sld [smem:$0x3F8F]  }
0x1a: {  	s8 =	sadd.s32 $0xFFFFE003, lr  }
0x1b: {  	s9 =	sadd.s32 $0xFFFFFEF7, lr;
	s5 =	simm.s32 $0xFFFFFFFF;
	p2 =	slt.u32 s8, $0xFFFFF086  }
0x1c: {  	p1 =	slt.u32 s9, $0xF7A;
	s5 =	simm.s32 @!p2 $0x0  }
0x1d: {  	s5 =	simm.s32 @p1 $0x1;
	p0 =	seq.s32 s7, s2  }
0x1e: {  	s7 =	smul.u32 @!p0 $0xF7A, s2;
	p2 =	seq.s32 @!p0 s5, $0x0  }
0x1f: {  	s9 =	smul.u32 $0xF7A, s1;
	s8 =	simm.s32 @!p0 $0x1BF5;
	p2 =	por !p2, p0  }
0x20: {  	[sflag:s8] =	ssyncset.s32 @!p0 $0xFFFFF086;
	s6 =	sadd.s32 @!p0 s3, s7;
	s7 =	simm.s32 @!p0 $0x108  }
0x21: {  	s3 =	sadd.s32 s3, s9;
	s6 =	sadd.s32 @!p0 $0x88, s6;
	s7 =	simm.s32 @p2 $0x1082  }
0x22: {  	[simem:s7], [sflag:s8] =	dma.local @!p0 [hbm:s6], $0xF7A  }
0x23: {  	s9 =	sor.u32 $0xD0000000, s2;
	s6 =	simm.s32 $0x108;
	_ =	swait.ge @!p0 [sflag:s8], $0x0  }
0x24: {  	s3 =	sadd.s32 $0x88, s3;
	s6 =	simm.s32 @!p1 $0x1082;
	[sflag:s4] =	ssyncset.s32 $0xFFFFF086  }
0x25: {  	[simem:s6], [sflag:s4] =	dma.local [hbm:s3], $0xF7A  }
0x26: {  	[smem:$0x3F8F] =	sst s1;
	(tag) =	ssettag s2;
	_ =	strace s9  }
0x27: {  	s1 =	sld [smem:$0x3F9F]  }
0x28: {  	s2 =	sld [smem:$0x3FA0]  }
0x29: {  	s4 =	sld [smem:$0x3FA2]  }
0x2a: {  	p0 =	seq.s32 s5, $0x0;
	s5 =	sld [smem:$0x3FA3]  }
0x2b: {  	s6 =	sld [smem:$0x3FA4]  }
0x2c: {  	s7 =	sld [smem:$0x3FA5]  }
0x2d: {  	s3 =	simm.s32 $0x108;
	s8 =	sld [smem:$0x3FA6]  }
0x2e: {  	s3 =	simm.s32 @!p0 $0x1082;
	s9 =	sld [smem:$0x3FA7]  }
0x2f: {  	lr =	sadd.s32 s0, s3;
	s0 =	sld [smem:$0x3F9E]  }
0x30: {  	s3 =	sld [smem:$0x3FA1]  }
0x31: {  	[smem:$0x3FAA] =	sst s10  }
0x32: {  	s10 =	sld [smem:$0x3FA8];
	_ =	sdelay $0x3  }
0x33: {  	p0 =	seq.s32 s10, $0x1;
	s10 =	sld [smem:$0x3FAA];
	_ =	sdelay $0x3  }
0x34: {  	[smem:$0x3FAA] =	sst s10  }
0x35: {  	s10 =	sld [smem:$0x3FA9];
	_ =	sdelay $0x3  }
0x36: {  	p1 =	seq.s32 s10, $0x1;
	s10 =	sld [smem:$0x3FAA];
	_ =	sdelay $0x3  }
0x37: {  	[smem:$0x3FAA] =	sst s10  }
0x38: {  	s10 =	sld [smem:$0x3FAB]  }
0x39: {  	_ = 	snop;
	(pc) =	sbr.ind lr, $3  }
0x3a: {  	_ = 	snop  }
0x3b: {  	_ = 	snop  }
0x3c: {  	p2 =	seq.s32 s10, $0x1;
	s10 =	sld [smem:$0x3FAA]  }
0x3d: {  	_ =	shalt  }
0x3e: {  	_ =	shalt  }
0x3f: {  	_ =	shalt  }
0x40: {  	_ =	shalt  }
0x41: {  	_ =	shalt  }
0x42: {  	_ =	shalt  }
0x43: {  	_ =	shalt  }
0x44: {  	_ =	shalt  }
0x45: {  	_ =	shalt  }
0x46: {  	_ =	shalt  }
0x47: {  	_ =	shalt  }
0x48: {  	_ =	shalt  }
0x49: {  	_ =	shalt  }
0x4a: {  	_ =	shalt  }
0x4b: {  	_ =	shalt  }
0x4c: {  	_ =	shalt  }
0x4d: {  	_ =	shalt  }
0x4e: {  	_ =	shalt  }
0x4f: {  	_ =	shalt  }
0x50: {  	_ =	shalt  }
0x51: {  	_ =	shalt  }
0x52: {  	_ =	shalt  }
0x53: {  	_ =	shalt  }
0x54: {  	_ =	shalt  }
0x55: {  	_ =	shalt  }
0x56: {  	_ =	shalt  }
0x57: {  	_ =	shalt  }
0x58: {  	_ =	shalt  }
0x59: {  	_ =	shalt  }
0x5a: {  	_ =	shalt  }
0x5b: {  	_ =	shalt  }
0x5c: {  	_ =	shalt  }
0x5d: {  	_ =	shalt  }
0x5e: {  	_ =	shalt  }
0x5f: {  	_ =	shalt  }
0x60: {  	_ =	shalt  }
0x61: {  	_ =	shalt  }
0x62: {  	_ =	shalt  }
0x63: {  	_ =	shalt  }
0x64: {  	_ =	shalt  }
0x65: {  	_ =	shalt  }
0x66: {  	_ =	shalt  }
0x67: {  	_ =	shalt  }
0x68: {  	_ =	shalt  }
0x69: {  	_ =	shalt  }
0x6a: {  	_ =	shalt  }
0x6b: {  	_ =	shalt  }
0x6c: {  	_ =	shalt  }
0x6d: {  	_ =	shalt  }
0x6e: {  	_ =	shalt  }
0x6f: {  	_ =	shalt  }
0x70: {  	_ =	shalt  }
0x71: {  	_ =	shalt  }
0x72: {  	_ =	shalt  }
0x73: {  	_ =	shalt  }
0x74: {  	_ =	shalt  }
0x75: {  	_ =	shalt  }
0x76: {  	_ =	shalt  }
0x77: {  	_ =	shalt  }
0x78: {  	_ =	shalt  }
0x79: {  	_ =	shalt  }
0x7a: {  	_ =	shalt  }
0x7b: {  	_ =	shalt  }
0x7c: {  	_ =	shalt  }
0x7d: {  	_ =	shalt  }
0x7e: {  	_ =	shalt  }
0x7f: {  	_ =	shalt  }
0x80: {  	_ =	shalt  }
0x81: {  	_ =	shalt  }
0x82: {  	_ =	shalt  }
0x83: {  	_ =	shalt  }
0x84: {  	_ =	shalt  }
0x85: {  	_ =	shalt  }
0x86: {  	_ =	shalt  }
0x87: {  	_ =	shalt  }
.Lfunc_end0:
.L_simem_size_0:
called_computation_lowered:
.L_overlay_start_0:
0x88: {  	s2 =	sld [smem:$0x3FD9]  }
0x89: {  	s3 =	sld [smem:$0x3FFE];
	_ =	sdelay $0x1  }
0x8a: {  	s1 =	srdreg.scid  }
0x8b: {  	s0 =	sand.u32 $0x1, s1  }
0x8c: {  	s14 =	sshll.u32 s0, $0xA;
	s2 =	sadd.s32 s3, s2  }
0x8d: {  	s2 =	sadd.s32 s2, s14  }
0x8e: {  	[smem:$0x3FB6] =	sst s2  }
0x8f: {  	_ = 	snop  }
0x90: {  	s2 =	sld [smem:$0x3FD0];
	_ =	sdelay $0x2  }
0x91: {  	s15 =	simm.s32 $0xA;
	s4 =	simm.s32 $0x10  }
0x92: {  	[smem:s4], [sflag:s15] =	dma.local [hbm:s2], $0x1  }
0x93: {  	_ =	swait.eq [sflag:s15], $0x1  }
0x94: {  	[sflag:s15] =	ssyncset.done $0x0  }
0x95: {  	[sflag:s15] =	ssyncadd.s32 $0xFFFFFFFF  }
0x96: {  	s16 =	sld [smem:$0x11];
	(tm) =	ssettm $0x1  }
0x97: {  	s17 =	sld [smem:$0x3FFB];
	_ =	sdelay $0x3  }
0x98: {  	_ =	strace s17  }
0x99: {  	s3 =	sld [smem:$0x3FFC];
	_ =	sdelay $0x3  }
0x9a: {  	_ =	strace s3  }
0x9b: {  	s3 =	sld [smem:$0x3FFD];
	_ =	sdelay $0x3  }
0x9c: {  	_ =	strace s3  }
0x9d: {  	_ =	strace $0x8FFFFFFF  }
0x9e: {  	s18 =	sld [smem:$0x3FDB];
	_ =	sdelay $0x1  }
0x9f: {  	s19 =	simm.s32 $_scs_section_size  }
0xa0: {  	s5 =	simm.s32 $_size__tile_overlayer_lowered;
	s6 =	simm.s32 $_tile_overlayer_lowered  }
0xa1: {  	s22 =	simm.s32 $0x1BFF;
	s21 =	sshll.u32 s6, $0x1;
	s3 =	sadd.s32 s19, s18  }
0xa2: {  	s7 =	simm.s32 $0x0;
	s20 =	sshll.u32 s5, $0x1;
	s5 =	sadd.s32 s21, s3  }
0xa3: {  	[timem:s7], [sflag:s22] =	dma.local [hbm:s5], s20  }
0xa4: {  	_ =	swait.ge [sflag:s22], s20  }
0xa5: {  	s4 =	ssub.s32 $0x0, s20;
	[sflag:s22] =	ssyncset.done $0x0  }
0xa6: {  	[sflag:s22] =	ssyncadd.s32 s4;
	_ =	sdelay $0x1  }
0xa7: {  	s23 =	simm.s32 $0x1B8B  }
0xa8: {  	_ =	swait.ge [sflag:s23], $0x1  }
0xa9: {  	[sflag:s23] =	ssyncset.done $0x0  }
0xaa: {  	s25 =	simm.s32 $0x1B8E;
	s24 =	sld [smem:$0x3FFE];
	[sflag:s23] =	ssyncadd.s32 $0xFFFFFFFF  }
0xab: {  	s26 =	simm.s32 $execute0_lowered;
	[smem:$0x3FD2] =	sst s25  }
0xac: {  	s5 =	sshll.u32 s26, $0x1;
	_ =	strace $0x80000046;
	[dreg:$0x1] =	wrdreg $0xFFFFFFFF  }
0xad: {  	s28 =	simm.s32 $_size_execute0_lowered;
	s3 =	sadd.s32 s3, s5;
	[dreg:$0x0] =	wrdreg $0x0  }
0xae: {  	s5 =	sshll.u32 s28, $0x1;
	[dreg:$0x2] =	wrdreg s3  }
0xaf: {  	[dreg:$0x3] =	wrdreg s5  }
0xb0: {  	[dreg:$0x4] =	wrdreg $0xC0  }
0xb1: {  	_ =	task [dreg:s7], $0x5FFFF  }
0xb2: {  	[dreg:$0x1] =	wrdreg $0xFFFFFFFF  }
0xb3: {  	[dreg:$0x0] =	wrdreg $0x60  }
0xb4: {  	[dreg:$0x2] =	wrdreg s24  }
0xb5: {  	[dreg:$0x3] =	wrdreg s16  }
0xb6: {  	[dreg:$0x4] =	wrdreg $0x9  }
0xb7: {  	_ =	task.clear_ibuf [dreg:s7], $0x5FFFF;
	_ =	strace $0x90000046  }
0xb8: {  	s29 =	simm.s32 $0x9;
	_ =	strace $0x80000048  }
0xb9: {  	_ =	swait.ge [sflag:s29], $0x1  }
0xba: {  	[sflag:s29] =	ssyncadd.s32 $0xFFFFFFFF  }
0xbb: {  	_ =	strace $0x90000048  }
0xbc: {  	_ =	sfence  }
0xbd: {  	s30 =	sld [smem:$0x0];
	_ =	sdelay $0x2  }
0xbe: {  	s31 =	sshll.u32 s1, $0xD;
	s1 =	sshrl.u32 s1, $0x2  }
0xbf: {  	s3 =	sand.u32 $0x4000, s31;
	s1 =	sadd.s32 s1, s30  }
0xc0: {  	s0 =	sor.u32 s3, s0;
	s1 =	sshll.u32 s1, $0x11  }
0xc1: {  	s0 =	sor.u32 s1, s0  }
0xc2: {  	s0 =	sadd.s32 $0x8F2B, s0  }
0xc3: {  	[sflag:s0] =	ssyncadd.remote.s32 $0x1  }
0xc4: {  	_ =	sfence.sel $0xFFFF  }
0xc5: {  	[dreg:$0x0] =	wrdreg $0xFFFFFFFF;
	(pc) =	sbr.abs _section_cstart, $3  }
0xc6: {  	[dreg:$0x1] =	wrdreg $0xFFFFFFFF  }
0xc7: {  	_ =	task.clear_ibuf [dreg:s7], $0x2FFFF;
	_ =	strace $0x9FFFFFFF  }
0xc8: {  	(tm) =	ssettm $0x7FFFFFFF  }
0xc9: {  	_ =	shalt  }
tec
execute0_lowered:
.L_overlay_start_1:
0x0: {  	(tag) =	ssettag $0x1  }
0x1: {  	s3 =	rddreg [dreg:$0x0]  }
0x2: {  	s6 =	rddreg [dreg:$0x1];
	s1 =	stileid.u32  }
0x3: {  	s0 =	rddreg [dreg:$0x2];
	s2 =	srdreg.scid;
	s11 =	simm.s32 $0x200  }
0x4: {  	s12 =	simm.s32 $0xC000;
	s13 =	simm.s32 $0xC180;
	s14 =	simm.s32 $0xC200  }
0x5: {  	s15 =	simm.s32 $0xC280;
	s16 =	simm.s32 $0xF280;
	s17 =	simm.s32 $0x0  }
0x6: {  	s4 =	sshll.u32 s1, $0x1;
	s5 =	sshrl.u32 s1, $0x1;
	s7 =	sand.u32 $0x1, s2  }
0x7: {  	s2 =	simm.s32 $0x0;
	s4 =	sand.u32 $0x2, s4;
	s8 =	smul.u32 $0x600, s5  }
0x8: {  	[smem:$0x7FF] =	sst s2;
	s9 =	smul.u32 $0xC000, s5;
	s10 =	sshll.u32 s5, $0x4  }
0x9: {  	s5 =	smul.u32 $0x18000, s5;
	s4 =	sor.u32 s7, s4;
	_ =	strace $0x80000047  }
0xa: {  	v0 =	vlaneseq.u32;
	s10 =	sadd.s32 s10, s3;
	s7 =	ssub.s32 $0x2, s7;
	s4 =	sshll.u32 s4, $0x7  }
0xb: {  	v1 =	vmul.u32 $0x80, v0;
	s29 =	sshrl.u32 s7, $0x1;
	s8 =	sor.u32 s8, s4;
	s9 =	sor.u32 s9, s4  }
0xc: {  	v2 =	vimm.s32 $0x0;
	s7 =	ssub.s32 s7, s29;
	s30 =	sor.u32 s5, s4;
	s8 =	sshrl.u32 s8, $0x3  }
0xd: {  	v3 =	vor.u32 $0x10, v0;
	v4 =	vor.u32 $0x800, v1;
	v5 =	vor.u32 $0x1000, v1;
	s9 =	sshrl.u32 s9, $0x3;
	s31 =	sshrl.u32 s30, $0x3;
	s7 =	smax.u32 s7, $0x1  }
0xe: {  	v6 =	vor.u32 $0x1800, v1;
	v7 =	vor.u32 $0x2000, v1;
	v8 =	vor.u32 $0x2800, v1;
	s8 =	sadd.s32 s8, s3;
	s9 =	sadd.s32 s9, s3;
	s3 =	sadd.s32 $0x3600, s10  }
0xf: {  	v9 =	vor.u32 $0x3000, v1;
	v10 =	vor.u32 $0x3800, v1;
	v11 =	vor.u32 $0x4000, v1;
	s6 =	sadd.s32 s6, s31;
	s10 =	simm.s32 $0x1;
	s4 =	sadd.s32 $0xF600, s8  }
0x10: {  	v12 =	vor.u32 $0x4800, v1;
	v13 =	vor.u32 $0x5000, v1;
	v14 =	vor.u32 $0x5800, v1;
	s5 =	sadd.s32 $0xFC00, s9;
	s8 =	simm.s32 $0x80;
	s9 =	simm.s32 $0x400  }
.LBB2_1:
0x11: {  	[tilespmem:s2], [sflag:$0x1] =	stream.strided.gather [hbm4b:s3+s8], $0xC000, s9, s8, $0x38;
	[tilespmem:$0x1D280] =	vst v63  }
0x12: {  	_ =	swait.ge [sflag:s10], $0xC000  }
0x13: {  	[sflag:s10] =	ssyncset.done $0x0  }
0x14: {  	[sflag:s10] =	ssyncadd.s32 $0xFFFF4000  }
0x15: {  	[tilespmem:s12], [sflag:$0x1] =	stream.strided.gather [hbm4b:s4+s8], $0x180, s11, s8, $0x38;
	[tilespmem:$0x1D280] =	vst v63  }
0x16: {  	_ =	swait.ge [sflag:s10], $0x180  }
0x17: {  	[sflag:s10] =	ssyncset.done $0x0  }
0x18: {  	s19 =	simm.s32 $0x0;
	[sflag:s10] =	ssyncadd.s32 $0xFFFFFE80  }
0x19: {  	v15 =	vld [tilespmem:s19+$0xA020]  }
0x1a: {  	v16 =	vld [tilespmem:s19+$0xA030]  }
0x1b: {  	v17 =	vld [tilespmem:s19+$0x6030]  }
0x1c: {  	v18 =	vld [tilespmem:s19+$0x8030]  }
0x1d: {  	v19 =	vld [tilespmem:s19+$0x6020];
	_ =	sdelay $0x2  }
0x1e: {  	v20 =	vld [tilespmem:s19+$0x8020];
	v21 =	vmul.f32 v15, v15  }
0x1f: {  	v22 =	vmul.f32 v17, v17;
	v23 =	vmul.f32 v18, v18  }
0x20: {  	v24 =	vmul.f32 v16, v16;
	v25 =	vshrl.u32 v17, $0x10;
	v26 =	vmul.f32 v19, v19  }
0x21: {  	s18 =	sand.u32 $0x1FC0, s2;
	v27 =	vshrl.u32 v18, $0x10;
	v28 =	vshrl.u32 v16, $0x10;
	v25 =	vand.u32 $0x1, v25  }
0x22: {  	v29 =	vld [tilespmem:s18+$0xA000];
	v28 =	vand.u32 $0x1, v28;
	v27 =	vand.u32 $0x1, v27;
	v22 =	vadd.f32 v23, v22  }
0x23: {  	v23 =	vmul.f32 v20, v20;
	v16 =	vadd.s32 v28, v16;
	v28 =	vld [tilespmem:s18+$0x6000];
	v17 =	vadd.s32 v25, v17  }
0x24: {  	v18 =	vadd.s32 v27, v18;
	v27 =	vld [tilespmem:s19+$0x6010];
	v25 =	vshrl.u32 v15, $0x10;
	v22 =	vadd.f32 v24, v22  }
0x25: {  	v16 =	vadd.s32 $0x7FFF, v16;
	v18 =	vadd.s32 $0x7FFF, v18;
	v24 =	vld [tilespmem:s18+$0x8000];
	v23 =	vadd.f32 v23, v26  }
0x26: {  	v17 =	vadd.s32 $0x7FFF, v17;
	v16 =	vand.u32 $0xFFFF0000, v16;
	v18 =	vand.u32 $0xFFFF0000, v18;
	[tilespmem:s19+$0x1B2B0] =	vst v22;
	v22 =	vld [tilespmem:s19+$0x8010]  }
0x27: {  	v17 =	vand.u32 $0xFFFF0000, v17;
	[tilespmem:s19+$0x192B0] =	vst v16;
	v16 =	vand.u32 $0x1, v25;
	v21 =	vadd.f32 v21, v23  }
0x28: {  	[tilespmem:s19+$0x172B0] =	vst v18;
	v18 =	vld [tilespmem:s19+$0xA010];
	v23 =	vshrl.u32 v20, $0x10;
	v15 =	vadd.s32 v16, v15;
	v16 =	vshrl.u32 v19, $0x10  }
0x29: {  	[tilespmem:s19+$0x152B0] =	vst v17;
	v17 =	vand.u32 $0x1, v23;
	v15 =	vadd.s32 $0x7FFF, v15;
	v16 =	vand.u32 $0x1, v16  }
0x2a: {  	[tilespmem:s19+$0x1B2A0] =	vst v21;
	v21 =	vmul.f32 v27, v27;
	v17 =	vadd.s32 v17, v20;
	v20 =	vand.u32 $0xFFFF0000, v15  }
0x2b: {  	s18 =	simm.s32 $0x40;
	v16 =	vadd.s32 v16, v19;
	v17 =	vadd.s32 $0x7FFF, v17;
	v23 =	vmul.f32 v22, v22  }
0x2c: {  	v19 =	vshrl.u32 v29, $0x10;
	v15 =	vld [tilespmem:s18+$0xA010];
	[tilespmem:s19+$0x192A0] =	vst v20;
	v16 =	vadd.s32 $0x7FFF, v16;
	v17 =	vand.u32 $0xFFFF0000, v17  }
0x2d: {  	v19 =	vand.u32 $0x1, v19;
	v20 =	vld [tilespmem:s18+$0xA020];
	v25 =	vmul.f32 v18, v18;
	[tilespmem:s19+$0x172A0] =	vst v17;
	v17 =	vadd.f32 v23, v21  }
0x2e: {  	v26 =	vmul.f32 v24, v24;
	v16 =	vand.u32 $0xFFFF0000, v16;
	v19 =	vadd.s32 v19, v29  }
0x2f: {  	v19 =	vadd.s32 $0x7FFF, v19;
	v23 =	vadd.f32 v25, v17;
	v17 =	vshrl.u32 v24, $0x10  }
0x30: {  	v19 =	vand.u32 $0xFFFF0000, v19;
	v21 =	vld [tilespmem:s18+$0xA030];
	[tilespmem:s19+$0x152A0] =	vst v16;
	v25 =	vmul.f32 v28, v28;
	v17 =	vand.u32 $0x1, v17  }
0x31: {  	v29 =	vmul.f32 v29, v29;
	v16 =	vld [tilespmem:s18+$0x6010];
	[tilespmem:s19+$0x19280] =	vst v19;
	v19 =	vadd.s32 v17, v24  }
0x32: {  	v17 =	vld [tilespmem:s18+$0x8010];
	v25 =	vadd.f32 v26, v25;
	[tilespmem:s19+$0x1B290] =	vst v23;
	v23 =	vshrl.u32 v28, $0x10;
	v19 =	vadd.s32 $0x7FFF, v19  }
0x33: {  	v23 =	vand.u32 $0x1, v23;
	v19 =	vand.u32 $0xFFFF0000, v19  }
0x34: {  	v26 =	vadd.f32 v29, v25;
	v29 =	vshrl.u32 v18, $0x10;
	v23 =	vadd.s32 v23, v28  }
0x35: {  	v24 =	vld [tilespmem:s18+$0x6020];
	v28 =	vshrl.u32 v22, $0x10;
	[tilespmem:s19+$0x17280] =	vst v19;
	v19 =	vshrl.u32 v27, $0x10;
	v29 =	vand.u32 $0x1, v29  }
0x36: {  	v23 =	vadd.s32 $0x7FFF, v23;
	v28 =	vand.u32 $0x1, v28;
	v19 =	vand.u32 $0x1, v19  }
0x37: {  	v23 =	vand.u32 $0xFFFF0000, v23;
	v18 =	vadd.s32 v29, v18;
	v19 =	vadd.s32 v19, v27  }
0x38: {  	v25 =	vld [tilespmem:s18+$0x8020];
	[tilespmem:s19+$0x1B280] =	vst v26;
	v22 =	vadd.s32 v28, v22;
	v18 =	vadd.s32 $0x7FFF, v18;
	v19 =	vadd.s32 $0x7FFF, v19  }
0x39: {  	v26 =	vld [tilespmem:s18+$0x6030];
	[tilespmem:s19+$0x15280] =	vst v23;
	v22 =	vadd.s32 $0x7FFF, v22;
	v18 =	vand.u32 $0xFFFF0000, v18;
	v29 =	vand.u32 $0xFFFF0000, v19  }
0x3a: {  	v27 =	vld [tilespmem:s18+$0x8030];
	v28 =	vand.u32 $0xFFFF0000, v22;
	[tilespmem:s19+$0x19290] =	vst v18  }
0x3b: {  	v23 =	vmul.f32 v20, v20;
	v22 =	vmul.f32 v15, v15;
	[tilespmem:s19+$0x17290] =	vst v28  }
0x3c: {  	s20 =	simm.s32 $0x200;
	v30 =	vmovc v17;
	v18 =	vshrl.u32 v16, $0x10;
	v19 =	vshrl.u32 v17, $0x10;
	v28 =	vmul.f32 v21, v21;
	[tilespmem:s19+$0x15290] =	vst v29;
	s19 =	simm.s32 $0x0;
	v29 =	vmovc v16  }
.LBB2_2:
0x3d: {  	p0 =	sne.s32 s20, $0x7F00;
	v31 =	vshrl.u32 v15, $0x10;
	v32 =	vshrl.u32 v24, $0x10;
	v33 =	vshrl.u32 v25, $0x10  }
0x3e: {  	v29 =	vmul.f32 v29, v16;
	v34 =	vshrl.u32 v20, $0x10;
	v35 =	vshrl.u32 v26, $0x10  }
0x3f: {  	v30 =	vmul.f32 v30, v17;
	v36 =	vmul.f32 v24, v24;
	v37 =	vshrl.u32 v27, $0x10  }
0x40: {  	v38 =	vmul.f32 v25, v25;
	v39 =	vshrl.u32 v21, $0x10;
	v40 =	vmul.f32 v26, v26  }
0x41: {  	v32 =	vand.u32 $0x1, v32;
	v33 =	vand.u32 $0x1, v33;
	v41 =	vmul.f32 v27, v27  }
0x42: {  	v34 =	vand.u32 $0x1, v34;
	v35 =	vand.u32 $0x1, v35;
	v37 =	vand.u32 $0x1, v37  }
0x43: {  	v24 =	vadd.s32 v32, v24;
	v25 =	vadd.s32 v33, v25;
	v32 =	vand.u32 $0x1, v39  }
0x44: {  	s19 =	sadd.s32 $0x40, s19;
	v20 =	vadd.s32 v34, v20;
	v26 =	vadd.s32 v35, v26;
	v33 =	vadd.f32 v41, v40  }
0x45: {  	s21 =	sand.u32 $0x1FC0, s19;
	v29 =	vadd.f32 v30, v29;
	v21 =	vadd.s32 v32, v21;
	v27 =	vadd.s32 v37, v27  }
0x46: {  	v24 =	vadd.s32 $0x7FFF, v24;
	v32 =	vadd.f32 v38, v36;
	v28 =	vadd.f32 v28, v33;
	v30 =	vld [tilespmem:s21+$0xA000]  }
0x47: {  	v25 =	vadd.s32 $0x7FFF, v25;
	v20 =	vadd.s32 $0x7FFF, v20;
	v21 =	vadd.s32 $0x7FFF, v21;
	v33 =	vld [tilespmem:s21+$0x6000]  }
0x48: {  	v26 =	vadd.s32 $0x7FFF, v26;
	v27 =	vadd.s32 $0x7FFF, v27;
	v21 =	vand.u32 $0xFFFF0000, v21;
	v34 =	vld [tilespmem:s21+$0x8000];
	[tilespmem:s18+$0x1B2B0] =	vst v28  }
0x49: {  	v24 =	vand.u32 $0xFFFF0000, v24;
	v25 =	vand.u32 $0xFFFF0000, v25;
	v27 =	vand.u32 $0xFFFF0000, v27;
	[tilespmem:s18+$0x192B0] =	vst v21  }
0x4a: {  	v20 =	vand.u32 $0xFFFF0000, v20;
	v21 =	vadd.f32 v23, v32;
	v23 =	vand.u32 $0xFFFF0000, v26;
	[tilespmem:s18+$0x172B0] =	vst v27  }
0x4b: {  	v22 =	vadd.f32 v22, v29;
	v26 =	vshrl.u32 v30, $0x10;
	v27 =	vmul.f32 v30, v30;
	[tilespmem:s18+$0x152B0] =	vst v23  }
0x4c: {  	s21 =	sshra.s32 s20, $0x2;
	v23 =	vshrl.u32 v33, $0x10;
	v26 =	vand.u32 $0x1, v26;
	v28 =	vmul.f32 v33, v33;
	[tilespmem:s18+$0x1B2A0] =	vst v21  }
0x4d: {  	v32 =	vld [tilespmem:s21+$0xA010];
	v21 =	vshrl.u32 v34, $0x10;
	v26 =	vadd.s32 v26, v30;
	v29 =	vmul.f32 v34, v34;
	[tilespmem:s18+$0x192A0] =	vst v20  }
0x4e: {  	v23 =	vand.u32 $0x1, v23;
	v20 =	vld [tilespmem:s21+$0xA020];
	v30 =	vand.u32 $0x1, v21;
	v26 =	vadd.s32 $0x7FFF, v26;
	[tilespmem:s18+$0x172A0] =	vst v25  }
0x4f: {  	v21 =	vld [tilespmem:s21+$0xA030];
	v25 =	vadd.s32 v30, v34;
	v26 =	vand.u32 $0xFFFF0000, v26;
	v28 =	vadd.f32 v29, v28;
	[tilespmem:s18+$0x152A0] =	vst v24  }
0x50: {  	v23 =	vadd.s32 v23, v33;
	v29 =	vld [tilespmem:s21+$0x6010];
	v24 =	vadd.s32 $0x7FFF, v25;
	[tilespmem:s18+$0x19280] =	vst v26;
	v25 =	vand.u32 $0x1, v31  }
0x51: {  	v23 =	vadd.s32 $0x7FFF, v23;
	v30 =	vld [tilespmem:s21+$0x8010];
	v26 =	vand.u32 $0xFFFF0000, v24;
	v27 =	vadd.f32 v27, v28;
	[tilespmem:s18+$0x1B290] =	vst v22  }
0x52: {  	v19 =	vand.u32 $0x1, v19;
	v22 =	vand.u32 $0xFFFF0000, v23;
	v23 =	vadd.s32 v25, v15;
	v24 =	vld [tilespmem:s21+$0x6020];
	[tilespmem:s18+$0x17280] =	vst v26;
	v15 =	vmovc v32  }
.Ltmp0:
0x53: {  	v18 =	vand.u32 $0x1, v18;
	v17 =	vadd.s32 v19, v17;
	v19 =	vadd.s32 $0x7FFF, v23;
	v25 =	vld [tilespmem:s21+$0x8020];
	[tilespmem:s18+$0x1B280] =	vst v27;
	(pc) =	sbr.rel @p0 .LBB2_2-.Ltmp0, $4  }
0x54: {  	v33 =	vadd.s32 $0x7FFF, v17;
	v26 =	vld [tilespmem:s21+$0x6030];
	[tilespmem:s18+$0x15280] =	vst v22;
	v22 =	vadd.s32 v18, v16;
	v18 =	vand.u32 $0xFFFF0000, v19  }
0x55: {  	v28 =	vand.u32 $0xFFFF0000, v33;
	v27 =	vld [tilespmem:s21+$0x8030];
	v19 =	vadd.s32 $0x7FFF, v22;
	[tilespmem:s18+$0x19290] =	vst v18;
	v16 =	vmov v29  }
0x56: {  	v23 =	vmul.f32 v20, v20;
	v22 =	vmul.f32 v32, v15;
	v31 =	vand.u32 $0xFFFF0000, v19;
	[tilespmem:s18+$0x17290] =	vst v28;
	v17 =	vmovc v30  }
0x57: {  	s20 =	sadd.s32 $0x100, s20;
	v18 =	vshrl.u32 v16, $0x10;
	v28 =	vmul.f32 v21, v21;
	v19 =	vshrl.u32 v17, $0x10;
	[tilespmem:s18+$0x15290] =	vst v31;
	s18 =	smov.u32 s21  }
0x58: {  	v31 =	vshrl.u32 v15, $0x10;
	v32 =	vshrl.u32 v24, $0x10  }
0x59: {  	v33 =	vshrl.u32 v25, $0x10;
	v29 =	vmul.f32 v29, v16;
	v30 =	vmul.f32 v30, v17  }
0x5a: {  	v34 =	vshrl.u32 v20, $0x10;
	v36 =	vmul.f32 v24, v24;
	v38 =	vmul.f32 v25, v25  }
0x5b: {  	v39 =	vshrl.u32 v21, $0x10;
	v19 =	vand.u32 $0x1, v19;
	v18 =	vand.u32 $0x1, v18  }
0x5c: {  	v35 =	vshrl.u32 v26, $0x10;
	v40 =	vmul.f32 v26, v26;
	v32 =	vand.u32 $0x1, v32  }
0x5d: {  	v33 =	vand.u32 $0x1, v33;
	v34 =	vand.u32 $0x1, v34;
	v62 =	vand.u32 $0x1, v39  }
0x5e: {  	v37 =	vshrl.u32 v27, $0x10;
	v41 =	vmul.f32 v27, v27;
	v35 =	vand.u32 $0x1, v35  }
0x5f: {  	v60 =	vadd.s32 v32, v24;
	v61 =	vadd.s32 v33, v25;
	v63 =	vadd.s32 v34, v20  }
0x60: {  	s19 =	sadd.s32 $0x40, s19;
	v29 =	vadd.f32 v30, v29;
	v44 =	vadd.s32 v62, v21;
	v46 =	vadd.f32 v38, v36  }
0x61: {  	s19 =	sand.u32 $0x1FC0, s19;
	v62 =	vadd.s32 v19, v17;
	v37 =	vand.u32 $0x1, v37;
	v39 =	vadd.s32 v35, v26  }
0x62: {  	v45 =	vld [tilespmem:s19+$0xA000];
	v24 =	vadd.s32 $0x7FFF, v60;
	v25 =	vadd.s32 $0x7FFF, v61;
	v21 =	vadd.s32 $0x7FFF, v44  }
0x63: {  	v47 =	vld [tilespmem:s19+$0x6000];
	v20 =	vadd.s32 $0x7FFF, v63;
	v60 =	vand.u32 $0x1, v31;
	v21 =	vand.u32 $0xFFFF0000, v21  }
0x64: {  	v48 =	vld [tilespmem:s19+$0x8000];
	v63 =	vadd.s32 v18, v16;
	v17 =	vadd.s32 $0x7FFF, v62;
	v20 =	vand.u32 $0xFFFF0000, v20;
	[tilespmem:s18+$0x192B0] =	vst v21  }
0x65: {  	v42 =	vadd.f32 v41, v40;
	v43 =	vadd.s32 v37, v27;
	v25 =	vand.u32 $0xFFFF0000, v25;
	[tilespmem:s18+$0x192A0] =	vst v20  }
0x66: {  	v26 =	vadd.s32 $0x7FFF, v39;
	v24 =	vand.u32 $0xFFFF0000, v24;
	v49 =	vadd.f32 v23, v46;
	[tilespmem:s18+$0x172A0] =	vst v25  }
0x67: {  	v22 =	vadd.f32 v22, v29;
	v15 =	vadd.s32 v60, v15;
	v17 =	vand.u32 $0xFFFF0000, v17;
	[tilespmem:s18+$0x152A0] =	vst v24  }
0x68: {  	v16 =	vadd.s32 $0x7FFF, v63;
	v27 =	vadd.s32 $0x7FFF, v43;
	v50 =	vand.u32 $0xFFFF0000, v26;
	[tilespmem:s18+$0x17290] =	vst v17  }
0x69: {  	v15 =	vadd.s32 $0x7FFF, v15;
	v28 =	vadd.f32 v28, v42;
	v27 =	vand.u32 $0xFFFF0000, v27;
	[tilespmem:s18+$0x152B0] =	vst v50  }
0x6a: {  	[tilespmem:s18+$0x1B2A0] =	vst v49;
	v15 =	vand.u32 $0xFFFF0000, v15;
	v51 =	vshrl.u32 v45, $0x10;
	v52 =	vmul.f32 v45, v45  }
0x6b: {  	[tilespmem:s18+$0x1B290] =	vst v22;
	v53 =	vshrl.u32 v47, $0x10;
	v54 =	vmul.f32 v47, v47;
	v55 =	vshrl.u32 v48, $0x10  }
0x6c: {  	v56 =	vmul.f32 v48, v48;
	[tilespmem:s18+$0x19290] =	vst v15;
	v15 =	vand.u32 $0xFFFF0000, v16;
	v26 =	vand.u32 $0x1, v51  }
0x6d: {  	[tilespmem:s18+$0x172B0] =	vst v27;
	v57 =	vand.u32 $0x1, v53;
	v21 =	vand.u32 $0x1, v55;
	v26 =	vadd.s32 v26, v45  }
0x6e: {  	[tilespmem:s18+$0x1B2B0] =	vst v28;
	v21 =	vadd.s32 v21, v48;
	v59 =	vadd.f32 v56, v54;
	v58 =	vadd.s32 $0x7FFF, v26  }
0x6f: {  	[tilespmem:s18+$0x15290] =	vst v15;
	v20 =	vadd.s32 v57, v47;
	v21 =	vadd.s32 $0x7FFF, v21;
	v23 =	vand.u32 $0xFFFF0000, v58  }
0x70: {  	v20 =	vadd.s32 $0x7FFF, v20;
	v21 =	vand.u32 $0xFFFF0000, v21;
	[tilespmem:s18+$0x19280] =	vst v23  }
0x71: {  	v61 =	vadd.f32 v52, v59;
	v20 =	vand.u32 $0xFFFF0000, v20;
	[tilespmem:s18+$0x17280] =	vst v21  }
0x72: {  	[tilespmem:s18+$0x15280] =	vst v20  }
0x73: {  	s19 =	simm.s32 $0x0;
	[tilespmem:s18+$0x1B280] =	vst v61  }
.LBB2_4:
0x74: {  	v15 =	vmov s19  }
0x75: {  	v16 =	vor.u32 $0x80, v15  }
0x76: {  	v19 =	vor.u32 $0x100, v15;
	_ =	sdelay $0x2  }
0x77: {  	v18 =	vld.idx.msk [tilespmem:v15+s12+$0x0], $0xffff  }
0x78: {  	v17 =	vld.idx.msk [tilespmem:v16+s12+$0x0], $0xffff  }
0x79: {  	v16 =	vld.idx.msk [tilespmem:v19+s12+$0x0], $0xffff;
	_ =	sdelay $0x3  }
0x7a: {  	v19 =	vshrl.u32 v18, $0x10;
	v22 =	vmul.f32 v18, v18  }
0x7b: {  	v19 =	vand.u32 $0x1, v19;
	v20 =	vshrl.u32 v17, $0x10;
	v21 =	vshrl.u32 v16, $0x10  }
0x7c: {  	v23 =	vmul.f32 v17, v17;
	v19 =	vadd.s32 v19, v18;
	v20 =	vand.u32 $0x1, v20  }
0x7d: {  	v21 =	vand.u32 $0x1, v21;
	v19 =	vadd.s32 $0x7FFF, v19;
	v20 =	vadd.s32 v20, v17  }
0x7e: {  	s18 =	simm.s32 $0x17290;
	s20 =	simm.s32 $0x19290;
	v21 =	vadd.s32 v21, v16;
	v22 =	vadd.f32 v23, v22;
	v23 =	vmul.f32 v16, v16  }
0x7f: {  	s21 =	simm.s32 $0x1B290;
	s22 =	simm.s32 $0x15290;
	s23 =	simm.s32 $0x0;
	v19 =	vand.u32 $0xFFFF0000, v19;
	v20 =	vadd.s32 $0x7FFF, v20;
	v21 =	vadd.s32 $0x7FFF, v21  }
0x80: {  	s25 =	simm.s32 $0x0;
	s26 =	simm.s32 $0x0;
	s24 =	simm.s32 $0x0;
	v20 =	vand.u32 $0xFFFF0000, v20;
	v21 =	vand.u32 $0xFFFF0000, v21;
	v22 =	vadd.f32 v23, v22  }
.LBB2_5:
0x81: {  	v23 =	vld [tilespmem:s22+$0xFFFFFFF0]  }
0x82: {  	v24 =	vld [tilespmem:s18+$0xFFFFFFF0];
	_ =	sdelay $0x1  }
0x83: {  	v25 =	vld [tilespmem:s20+$0xFFFFFFF0];
	_ =	sdelay $0x2  }
0x84: {  	v23 =	vmul.f32 v19, v23;
	v24 =	vmul.f32 v20, v24  }
0x85: {  	v26 =	vld [tilespmem:s21+$0xFFFFFFF0]  }
0x86: {  	v50 =	vmul.f32 v21, v25;
	v23 =	vadd.f32 v24, v23;
	_ =	sdelay $0x1  }
0x87: {  	v23 =	vadd.f32 v50, v23;
	_ =	sdelay $0x1  }
0x88: {  	v51 =	vadd.f32 v26, v22;
	v23 =	vadd.f32 v23, v23;
	_ =	sdelay $0x1  }
0x89: {  	v23 =	vsub.f32 v51, v23  }
0x8a: {  	v52 =	vmov s26  }
0x8b: {  	v53 =	vmov s25;
	vm1 =	vlt.s32 v52, $0x10;
	vm0 =	vle.f32 v23, $3.999999910e-02  }
0x8c: {  	vm2 =	vlt.s32 v53, $0x20;
	vm11 =	vle.f32 v23, $1.599999960e-01;
	vm0 =	vmand vm1, vm0  }
0x8d: {  	vm1 =	vmand vm2, vm11;
	v23 =	vsel vm0, $0x1, v2  }
0x8e: {  	(xrf0) =	vadd.scan.msk.s32 $0xffff, v23;
	v23 =	vsel vm1, $0x1, v2  }
0x8f: {  	(xrf0) =	vadd.scan.msk.s32 $0xffff, v23;
	_ =	sdelay $0x4  }
0x90: {  	v23, _, _ =	vpop (xrf0)  }
0x91: {  	v54 =	vadd.s32 s26, v23;
	v55, _, _ =	vpop (xrf0)  }
0x92: {  	v24 =	vadd.s32 $0xFFFFFFFF, v54;
	v56 =	vadd.s32 s25, v55  }
0x93: {  	v26 =	vadd.s32 $0xFFFFFFFF, v56;
	_ =	sdelay $0x2  }
0x94: {  	v27 =	vor.u32 s23, v0  }
0x95: {  	(v2sf) =	vpush v23, $0xF;
	[tilespmem:v24+s13+$0x0] =	vst.idx.msk vm0, v27  }
0x96: {  	(v2sf) =	vpush v55, $0xF;
	[tilespmem:v26+s14+$0x0] =	vst.idx.msk vm1, v27  }
0x97: {  	v23 =	vld [tilespmem:s22+$0x0]  }
0x98: {  	v24 =	vld [tilespmem:s18+$0x0];
	_ =	sdelay $0x1  }
0x99: {  	v57 =	vld [tilespmem:s20+$0x0];
	_ =	sdelay $0x2  }
0x9a: {  	v23 =	vmul.f32 v19, v23;
	v24 =	vmul.f32 v20, v24  }
0x9b: {  	v26 =	vld [tilespmem:s21+$0x0]  }
0x9c: {  	v58 =	vmul.f32 v21, v57;
	v23 =	vadd.f32 v24, v23;
	_ =	sdelay $0x1  }
0x9d: {  	v23 =	vadd.f32 v58, v23;
	_ =	sdelay $0x1  }
0x9e: {  	v59 =	vadd.f32 v26, v22;
	v23 =	vadd.f32 v23, v23  }
0x9f: {  	s28 =	spop (v2sf)  }
0xa0: {  	s26 =	sadd.s32 s26, s28;
	s29 =	spop (v2sf);
	v23 =	vsub.f32 v59, v23  }
0xa1: {  	s30 =	sadd.s32 s25, s29;
	v60 =	vmov s26  }
0xa2: {  	vm13 =	vlt.s32 v60, $0x10;
	v61 =	vmov s30;
	vm12 =	vle.f32 v23, $3.999999910e-02  }
0xa3: {  	vm15 =	vlt.s32 v61, $0x20;
	vm14 =	vle.f32 v23, $1.599999960e-01;
	vm0 =	vmand vm12, vm13  }
0xa4: {  	vm1 =	vmand vm14, vm15;
	v23 =	vsel vm0, $0x1, v2  }
0xa5: {  	(xrf0) =	vadd.scan.msk.s32 $0xffff, v23;
	v23 =	vsel vm1, $0x1, v2  }
0xa6: {  	(xrf0) =	vadd.scan.msk.s32 $0xffff, v23;
	_ =	sdelay $0x4  }
0xa7: {  	v23, _, _ =	vpop (xrf0)  }
0xa8: {  	v62, _, _ =	vpop (xrf0);
	(v2sf) =	vpush v23, $0xF  }
0xa9: {  	(v2sf) =	vpush v62, $0xF;
	_ =	sdelay $0xd  }
0xaa: {  	s31 =	spop (v2sf)  }
0xab: {  	s29 =	spop (v2sf)  }
0xac: {  	v23 =	vadd.s32 s26, v23;
	s26 =	sadd.s32 s26, s31;
	s25 =	sadd.s32 s30, s29  }
0xad: {  	p0 =	slt.s32 s26, $0x10;
	p1 =	slt.s32 s25, $0x20  }
0xae: {  	p2 =	sgt.u32 s24, $0xFE;
	v23 =	vadd.s32 $0xFFFFFFFF, v23;
	v24 =	vadd.s32 s30, v62;
	p0 =	por p0, p1  }
0xaf: {  	v24 =	vadd.s32 $0xFFFFFFFF, v24;
	p0 =	por p2, !p0  }
.Ltmp1:
0xb0: {  	_ = 	snop;
	(pc) =	sbr.rel @!p0 .LBB2_5-.Ltmp1, $4  }
0xb1: {  	s30 =	sadd.s32 $0x10, s23  }
0xb2: {  	s18 =	sadd.s32 $0x20, s18;
	v63 =	vor.u32 s30, v0  }
0xb3: {  	s20 =	sadd.s32 $0x20, s20;
	s21 =	sadd.s32 $0x20, s21;
	s31 =	sadd.s32 $0x1, s24;
	[tilespmem:v23+s13+$0x0] =	vst.idx.msk vm0, v63  }
0xb4: {  	s22 =	sadd.s32 $0x20, s22;
	s23 =	sadd.s32 $0x20, s23;
	s24 =	smov.u32 s31;
	[tilespmem:v24+s14+$0x0] =	vst.idx.msk vm1, v63  }
0xb5: {  	v19 =	vld [tilespmem:$0xC180]  }
0xb6: {  	v20 =	vld.msk [tilespmem:s13+$0x0], $0xffff  }
0xb7: {  	v21 =	vld [tilespmem:$0xC200]  }
0xb8: {  	v22 =	vld.msk [tilespmem:s14+$0x0], $0xffff  }
0xb9: {  	v23 =	vld [tilespmem:$0xC210]  }
0xba: {  	v24 =	vmov s26  }
0xbb: {  	v36 =	vmov s25;
	vm0 =	vgt.s32 v24, v0  }
0xbc: {  	vm14 =	vgt.s32 v36, v0;
	v19 =	vsel vm0, v19, v20  }
0xbd: {  	vm15 =	vgt.s32 v36, v3;
	v37 =	vsel vm14, v21, v22  }
0xbe: {  	v38 =	vsel vm15, v23, v22;
	_ =	sdelay $0x2  }
0xbf: {  	v39 =	vor.u32 v1, v15;
	v40 =	vld.idx.msk [tilespmem:v19+s2+$0x0], $0xffff  }
0xc0: {  	v41 =	vld.idx.msk [tilespmem:v37+s2+$0x0], $0xffff  }
0xc1: {  	v25 =	vor.u32 v4, v15;
	v26 =	vld.idx.msk [tilespmem:v38+s2+$0x0], $0xffff  }
0xc2: {  	v27 =	vadd.s32 $0x2000, v19  }
0xc3: {  	v28 =	vadd.s32 $0x2000, v37  }
0xc4: {  	v42 =	vadd.s32 $0x2000, v38;
	[tilespmem:v39+s15+$0x0] =	vst.idx.msk $0xffff, v40  }
0xc5: {  	[tilespmem:v39+s16+$0x0] =	vst.idx.msk $0xffff, v41  }
0xc6: {  	[tilespmem:v25+s16+$0x0] =	vst.idx.msk $0xffff, v26  }
0xc7: {  	v22 =	vld.idx.msk [tilespmem:v27+s2+$0x0], $0xffff  }
0xc8: {  	v43 =	vor.u32 v5, v15;
	v24 =	vld.idx.msk [tilespmem:v28+s2+$0x0], $0xffff  }
0xc9: {  	v44 =	vor.u32 v6, v15;
	v23 =	vld.idx.msk [tilespmem:v42+s2+$0x0], $0xffff  }
0xca: {  	v45 =	vadd.s32 $0x4000, v19  }
0xcb: {  	v29 =	vadd.s32 $0x4000, v37  }
0xcc: {  	v46 =	vadd.s32 $0x4000, v38;
	[tilespmem:v25+s15+$0x0] =	vst.idx.msk $0xffff, v22  }
0xcd: {  	[tilespmem:v43+s16+$0x0] =	vst.idx.msk $0xffff, v24  }
0xce: {  	[tilespmem:v44+s16+$0x0] =	vst.idx.msk $0xffff, v23  }
0xcf: {  	v23 =	vld.idx.msk [tilespmem:v45+s2+$0x0], $0xffff  }
0xd0: {  	v47 =	vor.u32 v7, v15;
	v24 =	vld.idx.msk [tilespmem:v29+s2+$0x0], $0xffff  }
0xd1: {  	v48 =	vor.u32 v8, v15;
	v22 =	vld.idx.msk [tilespmem:v46+s2+$0x0], $0xffff  }
0xd2: {  	v49 =	vadd.s32 $0x6000, v19  }
0xd3: {  	v30 =	vadd.s32 $0x6000, v37  }
0xd4: {  	v50 =	vadd.s32 $0x6000, v38;
	[tilespmem:v43+s15+$0x0] =	vst.idx.msk $0xffff, v23  }
0xd5: {  	[tilespmem:v47+s16+$0x0] =	vst.idx.msk $0xffff, v24  }
0xd6: {  	[tilespmem:v48+s16+$0x0] =	vst.idx.msk $0xffff, v22  }
0xd7: {  	v22 =	vld.idx.msk [tilespmem:v49+s2+$0x0], $0xffff  }
0xd8: {  	v24 =	vld.idx.msk [tilespmem:v30+s2+$0x0], $0xffff  }
0xd9: {  	v23 =	vld.idx.msk [tilespmem:v50+s2+$0x0], $0xffff  }
0xda: {  	v51 =	vor.u32 v9, v15  }
0xdb: {  	v52 =	vor.u32 v10, v15  }
0xdc: {  	v53 =	vadd.s32 $0x8000, v19;
	v22 =	vsub.f32 v22, v18  }
0xdd: {  	v31 =	vadd.s32 $0x8000, v37;
	v24 =	vsub.f32 v24, v18  }
0xde: {  	v55 =	vadd.s32 $0x8000, v38;
	v54 =	vsub.f32 v23, v18;
	[tilespmem:v44+s15+$0x0] =	vst.idx.msk $0xffff, v22  }
0xdf: {  	[tilespmem:v51+s16+$0x0] =	vst.idx.msk $0xffff, v24  }
0xe0: {  	[tilespmem:v52+s16+$0x0] =	vst.idx.msk $0xffff, v54  }
0xe1: {  	v18 =	vld.idx.msk [tilespmem:v53+s2+$0x0], $0xffff  }
0xe2: {  	v56 =	vld.idx.msk [tilespmem:v31+s2+$0x0], $0xffff  }
0xe3: {  	v22 =	vld.idx.msk [tilespmem:v55+s2+$0x0], $0xffff  }
0xe4: {  	v57 =	vor.u32 v11, v15  }
0xe5: {  	v58 =	vor.u32 v12, v15  }
0xe6: {  	v19 =	vadd.s32 $0xA000, v19;
	v18 =	vsub.f32 v18, v17  }
0xe7: {  	v20 =	vadd.s32 $0xA000, v37;
	v23 =	vsub.f32 v56, v17  }
0xe8: {  	v60 =	vadd.s32 $0xA000, v38;
	v59 =	vsub.f32 v22, v17;
	[tilespmem:v47+s15+$0x0] =	vst.idx.msk $0xffff, v18  }
0xe9: {  	[tilespmem:v57+s16+$0x0] =	vst.idx.msk $0xffff, v23  }
0xea: {  	[tilespmem:v58+s16+$0x0] =	vst.idx.msk $0xffff, v59  }
0xeb: {  	v17 =	vld.idx.msk [tilespmem:v19+s2+$0x0], $0xffff  }
0xec: {  	v61 =	vld.idx.msk [tilespmem:v20+s2+$0x0], $0xffff  }
0xed: {  	v18 =	vld.idx.msk [tilespmem:v60+s2+$0x0], $0xffff  }
0xee: {  	v62 =	vor.u32 v13, v15;
	s19 =	sadd.s32 $0x1, s19  }
0xef: {  	v15 =	vor.u32 v14, v15;
	p0 =	sne.s32 s19, $0x80  }
.Ltmp2:
0xf0: {  	v17 =	vsub.f32 v17, v16;
	(pc) =	sbr.rel @p0 .LBB2_4-.Ltmp2, $4  }
0xf1: {  	v19 =	vsub.f32 v61, v16  }
0xf2: {  	v63 =	vsub.f32 v18, v16;
	[tilespmem:v48+s15+$0x0] =	vst.idx.msk $0xffff, v17  }
0xf3: {  	[tilespmem:v62+s16+$0x0] =	vst.idx.msk $0xffff, v19  }
0xf4: {  	[tilespmem:v15+s16+$0x0] =	vst.idx.msk $0xffff, v63  }
0xf5: {  	[hbm4b:s5+s8] =	stream.strided.scatter [tilespmem:s15], [sflag:$0x1], $0x3000, s11, s8, $0x38;
	[tilespmem:$0x1D280] =	vst v63  }
0xf6: {  	s17 =	sadd.s32 $0x1, s17;
	_ =	swait.ge [sflag:s10], $0x3000  }
0xf7: {  	p0 =	sne.s32 s17, s7;
	[sflag:s10] =	ssyncset.done $0x0  }
.Ltmp3:
0xf8: {  	[sflag:s10] =	ssyncadd.s32 $0xFFFFD000;
	(pc) =	sbr.rel @p0 .LBB2_1-.Ltmp3, $4  }
0xf9: {  	[hbm4b:s6+s8] =	stream.strided.scatter [tilespmem:s16], [sflag:$0x1], $0x6000, s11, s8, $0x38;
	[tilespmem:$0x1D280] =	vst v63  }
0xfa: {  	_ =	swait.ge [sflag:s10], $0x6000  }
0xfb: {  	[sflag:s10] =	ssyncset.done $0x0  }
0xfc: {  	[sflag:s10] =	ssyncadd.s32 $0xFFFFA000  }
0xfd: {  	_ =	sfence.sel $0x180000  }
0xfe: {  	[bflag:$0x0] =	sbarrier.arrive $0xFFFF  }
0xff: {  	p0 =	sne.s32 s1, $0x0;
	_ =	strace $0x90000047  }
0x100: {  	s0 =	sadd.s32 @!p0 $0x100000, s0;
	[bflag:$0x2] =	sbarrier.arrive $0xFFFF  }
0x101: {  	[sflag:s0] =	ssyncadd.tile.s32 @!p0 $0x1;
	_ =	shalt  }
.Lfunc_end2:
_tile_overlayer_lowered:
.L_overlay_start_2:
0x102: {  	(tag) =	ssettag $0x2  }
0x103: {  	s0 =	rddreg [dreg:$0x0];
	s2 =	stileid.u32  }
0x104: {  	s1 =	rddreg [dreg:$0x1];
	p0 =	sne.s32 s2, $0x0  }
0x105: {  	s3 =	rddreg [dreg:$0x2];
	[bflag:$0x3] =	sbarrier.arrive $0xFFFF;
	s2 =	simm.s32 @!p0 $0x1C01  }
0x106: {  	[timem:s3], [sflag:s2] =	dma.local @!p0 [hbm:s0], s1  }
0x107: {  	s0 =	simm.s32 @!p0 $0x1  }
0x108: {  	_ =	swait.ge @!p0 [sflag:s0], s1  }
0x109: {  	s1 =	ssub.s32 @!p0 $0x0, s1;
	[sflag:s0] =	ssyncset.done @!p0 $0x0  }
0x10a: {  	[sflag:s0] =	ssyncadd.s32 @!p0 s1  }
0x10b: {  	[bflag:$0x3] =	sbarrier.arrive $0xFFFF  }
0x10c: {  	_ =	shalt  }

</sc_bundles>
